<compile_context>
chip_gen: v7x
topology: tpu7x:2x2x1
jax: 0.10.2.dev20260603
libtpu: 0.0.44.dev20260713+nightly
codegen_flags: <defaults>
</compile_context>

<pallas_src>
import functools

import jax
import jax.numpy as jnp
from jax import lax
from jax.experimental import pallas as pl
from jax.experimental.pallas import tpu as pltpu
from jax.experimental.pallas import tpu_sc as plsc

_N, _T, _M, _C = 1000, 8, 1000, 84
_MP = 1008
_NP = 1024
_NCHUNK = _MP // 16
_KCH = 8
_DUMMY = _T * _M


def _vreduce16(v, op):
    s = [v[l] for l in range(16)]
    while len(s) > 1:
        s = [op(s[2 * i], s[2 * i + 1]) for i in range(len(s) // 2)]
    return s[0]


def _sc_match(boxes, predv):
    info = plsc.get_sparse_core_info()
    nc, ns = info.num_cores, info.num_subcores
    nw = nc * ns
    bpw = _NP // nw
    npair = bpw * _T
    ngrp = npair // 128
    mesh = plsc.VectorSubcoreMesh(core_axis_name="c", subcore_axis_name="s")

    @functools.partial(
        pl.kernel,
        mesh=mesh,
        out_type=jax.ShapeDtypeStruct((_NP * _T,), jnp.int32),
        scratch_types=[
            pltpu.VMEM((4, _T, _MP), jnp.float32),
            pltpu.VMEM((bpw, 16), jnp.float32),
            pltpu.VMEM((ngrp, 128), jnp.int32),
            pltpu.SMEM((npair,), jnp.int32),
            pltpu.SMEM((npair,), jnp.int32),
            pltpu.SemaphoreType.DMA,
        ],
    )
    def body(boxes_hbm, predv_hbm, out_hbm, boxv, pv, idxv, alist, res, sem):
        wid = lax.axis_index("s") * nc + lax.axis_index("c")
        base = wid * bpw
        with jax.named_scope("stage"):
            pltpu.sync_copy(boxes_hbm.at[:, :, pl.ds(0, _KCH * 16)],
                            boxv.at[:, :, pl.ds(0, _KCH * 16)])
            tail_copy = pltpu.async_copy(
                boxes_hbm.at[:, :, pl.ds(_KCH * 16, _MP - _KCH * 16)],
                boxv.at[:, :, pl.ds(_KCH * 16, _MP - _KCH * 16)], sem)
            pltpu.sync_copy(predv_hbm.at[pl.ds(base, bpw)], pv)
        lane = lax.iota(jnp.int32, 16)

        def enqueue(i, cnt):
            prow = pv[i, pl.ds(0, 16)]
            valid = (prow[2] > prow[0]) & (prow[3] > prow[1])
            for tt in range(_T):
                res[i * _T + tt] = jnp.int32(_DUMMY)
                alist[cnt + tt] = i * _T + tt
            return cnt + jnp.where(valid, jnp.int32(_T), jnp.int32(0))

        with jax.named_scope("enqueue"):
            nact = lax.fori_loop(0, bpw, enqueue, jnp.int32(0))

        def round_body(r, n):
            sl = pl.ds(r * 16, 16)

            def pair_body(k, cnt):
                pid = alist[k]
                i = pid >> 3
                t = pid & 7
                prow = pv[i, pl.ds(0, 16)]
                ax1 = jnp.full((16,), prow[0], jnp.float32)
                ay1 = jnp.full((16,), prow[1], jnp.float32)
                ax2 = jnp.full((16,), prow[2], jnp.float32)
                ay2 = jnp.full((16,), prow[3], jnp.float32)
                m = (((jnp.minimum(ax2, boxv[2, t, sl])
                       - jnp.maximum(ax1, boxv[0, t, sl])) > 0.0)
                     & ((jnp.minimum(ay2, boxv[3, t, sl])
                         - jnp.maximum(ay1, boxv[1, t, sl])) > 0.0))
                ffs = _vreduce16(jnp.where(m, lane, jnp.int32(16)),
                                 jnp.minimum)
                found = ffs < 16
                res[pid] = jnp.where(found, t * _M + r * 16 + ffs,
                                     jnp.int32(_DUMMY))
                alist[cnt] = pid
                return cnt + jnp.where(found, jnp.int32(0), jnp.int32(1))

            return lax.fori_loop(0, n, pair_body, jnp.int32(0))

        with jax.named_scope("scan"):
            nrem = lax.fori_loop(0, _KCH, round_body, nact)
            tail_copy.wait()
            ub = jnp.where(nrem > 0, jnp.int32(_NCHUNK), jnp.int32(_KCH))
            lax.fori_loop(_KCH, ub, round_body, nrem)

        def idx_build(g, carry):
            vec = jnp.full((16,), _DUMMY, jnp.int32)
            for l in range(16):
                vec = jnp.where(lane == l, res[g * 16 + l], vec)
            idxv[g // 8, pl.ds((g % 8) * 16, 16)] = vec
            return carry

        with jax.named_scope("idx_build"):
            lax.fori_loop(0, npair // 16, idx_build, jnp.int32(0))

        for g in range(ngrp):
            pltpu.sync_copy(idxv.at[g],
                            out_hbm.at[pl.ds(wid * npair + g * 128, 128)])

    return body(boxes, predv)


def _tc_entropy_body(idx_ref, conf_ref, out_ref):
    idx = idx_ref[...]
    ent = jnp.zeros((_NP, _C), jnp.float32)
    for t in range(_T):
        c = conf_ref[t]
        f = -(c * jnp.log(c))
        col = lax.broadcasted_iota(jnp.int32, (_NP, _M), 1) + t * _M
        oh = (idx[:, t][:, None] == col).astype(jnp.float32)
        ent = ent + jnp.dot(oh, f, preferred_element_type=jnp.float32)
    m = jnp.max(ent, axis=1, keepdims=True)
    z = jnp.exp(ent - m)
    out_ref[...] = 1.0 - jnp.min(z, axis=1) / jnp.sum(z, axis=1)


def _tc_entropy(idx, conf):
    return pl.pallas_call(
        _tc_entropy_body,
        out_shape=jax.ShapeDtypeStruct((_NP,), jnp.float32),
    )(idx, conf)


def kernel(pred, dropout_preds, dropout_cls_confs):
    dp = dropout_preds
    pads = ((0, 0), (0, _MP - _M))
    x1 = jnp.pad(dp[:, :, 0], pads, constant_values=1e30)
    y1 = jnp.pad(dp[:, :, 1], pads, constant_values=1e30)
    x2 = jnp.pad(dp[:, :, 2], pads, constant_values=-1e30)
    y2 = jnp.pad(dp[:, :, 3], pads, constant_values=-1e30)
    boxes = jnp.stack([x1, y1, x2, y2])
    predv = jnp.pad(pred[:, :4], ((0, _NP - _N), (0, 12)))
    flat = _sc_match(boxes, predv)
    idx = flat.reshape(_NP, _T)
    out = _tc_entropy(idx, dropout_cls_confs)
    return out[:_N]

# --- scband reference (transcript-rebuilt; emitter-appended) ---
"""Pipeline reference for scband-uncertainty-estimator-cls2-34600256537502 (READ-ONLY COPY).

The authoritative reference and input builder live on the scoring server;
editing this copy changes nothing except your own understanding.
"""

import jax, jax.numpy as jnp
import numpy as np

IOU_THRESHOLD = 0.0
EPS = 1e-7


def setup_inputs(seed: int = 0) -> dict:
    key = jax.random.key(seed)
    k1, k2, k3 = jax.random.split(key, 3)
    pred = jax.random.uniform(k1, (1000, 84), dtype=jnp.float32)
    dropout_preds = jax.random.uniform(k2, (8, 1000, 84), dtype=jnp.float32)
    dropout_cls_confs = jax.random.uniform(k3, (8, 1000, 84), dtype=jnp.float32)
    return {"pred": pred, "dropout_preds": dropout_preds, "dropout_cls_confs": dropout_cls_confs}


def _pairwise_iou(a, b):
    # a: [N,4] xyxy boxes, b: [T,M,4] xyxy boxes -> iou: [N,T,M]
    ax1, ay1, ax2, ay2 = a[:, 0], a[:, 1], a[:, 2], a[:, 3]
    bx1, by1, bx2, by2 = b[..., 0], b[..., 1], b[..., 2], b[..., 3]
    ix1 = jnp.maximum(ax1[:, None, None], bx1[None, :, :])
    iy1 = jnp.maximum(ay1[:, None, None], by1[None, :, :])
    ix2 = jnp.minimum(ax2[:, None, None], bx2[None, :, :])
    iy2 = jnp.minimum(ay2[:, None, None], by2[None, :, :])
    iw = jnp.clip(ix2 - ix1, 0.0, None)
    ih = jnp.clip(iy2 - iy1, 0.0, None)
    inter = iw * ih
    area_a = (ax2 - ax1) * (ay2 - ay1)
    area_b = (bx2 - bx1) * (by2 - by1)
    union = area_a[:, None, None] + area_b[None, :, :] - inter + EPS
    return inter / union


def reference(pred, dropout_preds, dropout_cls_confs):
    # Vectorized, faithful translation of the per-box python loops:
    # for each pred box i and each dropout pass t, take the FIRST candidate j with
    # iou(pred[i], dp[t, j]) > threshold and collect cls_conf[t, j]; passes with no
    # match contribute nothing (emulated with an all-ones row since 1*log(1)=0);
    # if no pass matched at all, torch falls back to a zeros row (entropy = NaN).
    iou = _pairwise_iou(pred[:, :4], dropout_preds[..., :4])  # [N,T,M]
    mask = iou > IOU_THRESHOLD
    has = jnp.any(mask, axis=2)          # [N,T] pass matched at all
    first_idx = jnp.argmax(mask, axis=2)  # [N,T] first True index (break in torch loop)
    T = dropout_preds.shape[0]
    sel = dropout_cls_confs[jnp.arange(T)[None, :], first_idx]  # [N,T,C]
    rows = jnp.where(has[..., None], sel, jnp.ones_like(sel))   # ones contribute 0 entropy
    ent = -jnp.sum(rows * jnp.log(rows), axis=1)                # [N,C] sum over passes
    any_match = jnp.any(has, axis=1)                            # [N]
    zero_row = jnp.zeros_like(ent)
    ent_fallback = -(zero_row * jnp.log(zero_row))              # 0*log(0) -> NaN, matches torch fallback
    entropy = jnp.where(any_match[:, None], ent, ent_fallback)  # [N,C]
    semantic_uncertainty = jnp.max(1.0 - jax.nn.softmax(entropy, axis=1), axis=1)  # [N]
    return semantic_uncertainty

if __name__ == "__main__":
    import jax
    _d = setup_inputs()
    print(jax.jit(kernel)(*tuple(_d.values())))

</pallas_src>

<mosaic_0001>
#map = affine_map<(d0, d1) -> (0, 0, 0)>
#map1 = affine_map<(d0, d1) -> (0, 0)>
#map2 = affine_map<(d0, d1) -> (0)>
module attributes {stable_mosaic.version = 14 : i64} {
  func.func @body(%arg0: i32, %arg1: i32, %arg2: memref<4x8x1008xf32, #tpu.memory_space<hbm>>, %arg3: memref<1024x16xf32, #tpu.memory_space<hbm>>, %arg4: memref<8192xi32, #tpu.memory_space<hbm>>, %arg5: memref<4x8x1008xf32, #tpu.memory_space<vmem>>, %arg6: memref<32x16xf32, #tpu.memory_space<vmem>>, %arg7: memref<2x128xi32, #tpu.memory_space<vmem>>, %arg8: memref<256xi32, #tpu.memory_space<smem>>, %arg9: memref<256xi32, #tpu.memory_space<smem>>, %arg10: memref<!tpu.dma_semaphore, #tpu.memory_space<semaphore_mem>>) attributes {dimension_semantics = [#tpu.dimension_semantics<core_parallel>, #tpu.dimension_semantics<subcore_parallel>], iteration_bounds = array<i64: 2, 16>, scalar_prefetch = 0 : i64, scratch_operands = 6 : i64, tpu.core_type = #tpu.core_type<sc_vector_subcore>, window_params = [{transform_indices = #map}, {transform_indices = #map1}, {transform_indices = #map2}]} {
    %mul3A = arith.constant 2 : i32
    %mul3A_0 = arith.muli %arg1, %mul3A : i32
    %add3A = arith.addi %mul3A_0, %arg0 : i32
    %mul3A_1 = arith.constant 32 : i32
    %mul3A_2 = arith.muli %add3A, %mul3A_1 : i32
    "tpu.trace_start"() <{level = 10 : i32, message = "stage"}> : () -> ()
    "tpu.region"() ({
      %run_scoped3A_72 = tpu.sem_alloc : memref<!tpu.dma_semaphore, #tpu.memory_space<semaphore_mem>>
      %dma_start3A_73 = arith.constant 0 : i32
      %dma_start3A_74 = arith.constant 0 : i32
      %dma_start3A_75 = arith.constant 0 : i32
      %dma_start3A_76 = tpu.memref_slice %arg5[%dma_start3A_73, %dma_start3A_74, %dma_start3A_75] : memref<4x8x1008xf32, #tpu.memory_space<vmem>> -> memref<4x8x128xf32, #tpu.memory_space<vmem>>
      %dma_start3A_77 = arith.constant 0 : i32
      %dma_start3A_78 = arith.constant 0 : i32
      %dma_start3A_79 = arith.constant 0 : i32
      %dma_start3A_80 = tpu.memref_slice %arg2[%dma_start3A_77, %dma_start3A_78, %dma_start3A_79] : memref<4x8x1008xf32, #tpu.memory_space<hbm>> -> memref<4x8x128xf32, #tpu.memory_space<hbm>>
      %dma_start3A_81 = arith.constant 0 : i32
      %dma_start3A_82 = arith.constant 0 : i32
      %dma_start3A_83 = arith.constant 0 : i32
      %dma_start3A_84 = tpu.memref_slice %arg5[%dma_start3A_81, %dma_start3A_82, %dma_start3A_83] : memref<4x8x1008xf32, #tpu.memory_space<vmem>> -> memref<4x8x128xf32, #tpu.memory_space<vmem>>
      %dma_start3A_85 = arith.constant 0 : i32
      %dma_start3A_86 = arith.constant 0 : i32
      %dma_start3A_87 = arith.constant 0 : i32
      %dma_start3A_88 = tpu.memref_slice %arg2[%dma_start3A_85, %dma_start3A_86, %dma_start3A_87] : memref<4x8x1008xf32, #tpu.memory_space<hbm>> -> memref<4x8x128xf32, #tpu.memory_space<hbm>>
      tpu.enqueue_dma source(%dma_start3A_88 : memref<4x8x128xf32, #tpu.memory_space<hbm>>) target(%dma_start3A_84 : memref<4x8x128xf32, #tpu.memory_space<vmem>>) target_semaphore(%run_scoped3A_72 : memref<!tpu.dma_semaphore, #tpu.memory_space<semaphore_mem>>)
      %dma_wait3A_89 = arith.constant 0 : i32
      %dma_wait3A_90 = arith.constant 0 : i32
      %dma_wait3A_91 = arith.constant 0 : i32
      %dma_wait3A_92 = tpu.memref_slice %arg5[%dma_wait3A_89, %dma_wait3A_90, %dma_wait3A_91] : memref<4x8x1008xf32, #tpu.memory_space<vmem>> -> memref<4x8x128xf32, #tpu.memory_space<vmem>>
      %dma_wait3A_93 = arith.constant 0 : i32
      %dma_wait3A_94 = arith.constant 0 : i32
      %dma_wait3A_95 = arith.constant 0 : i32
      %dma_wait3A_96 = tpu.memref_slice %arg2[%dma_wait3A_93, %dma_wait3A_94, %dma_wait3A_95] : memref<4x8x1008xf32, #tpu.memory_space<hbm>> -> memref<4x8x128xf32, #tpu.memory_space<hbm>>
      %dma_wait3A_97 = arith.constant 0 : i32
      %dma_wait3A_98 = arith.constant 0 : i32
      %dma_wait3A_99 = arith.constant 0 : i32
      %dma_wait3A_100 = tpu.memref_slice %arg5[%dma_wait3A_97, %dma_wait3A_98, %dma_wait3A_99] : memref<4x8x1008xf32, #tpu.memory_space<vmem>> -> memref<4x8x128xf32, #tpu.memory_space<vmem>>
      %dma_wait3A_101 = arith.constant 0 : i32
      %dma_wait3A_102 = arith.constant 0 : i32
      %dma_wait3A_103 = arith.constant 0 : i32
      %dma_wait3A_104 = tpu.memref_slice %arg2[%dma_wait3A_101, %dma_wait3A_102, %dma_wait3A_103] : memref<4x8x1008xf32, #tpu.memory_space<hbm>> -> memref<4x8x128xf32, #tpu.memory_space<hbm>>
      tpu.wait_dma2 semaphore(%run_scoped3A_72 : memref<!tpu.dma_semaphore, #tpu.memory_space<semaphore_mem>>) src(%dma_wait3A_104 : memref<4x8x128xf32, #tpu.memory_space<hbm>>) dst(%dma_wait3A_100 : memref<4x8x128xf32, #tpu.memory_space<vmem>>)
      tpu.yield
    }) : () -> ()
    %dma_start3A = arith.constant 0 : i32
    %dma_start3A_3 = arith.constant 0 : i32
    %dma_start3A_4 = arith.constant 128 : i32
    %dma_start3A_5 = tpu.memref_slice %arg5[%dma_start3A, %dma_start3A_3, %dma_start3A_4] : memref<4x8x1008xf32, #tpu.memory_space<vmem>> -> memref<4x8x880xf32, #tpu.memory_space<vmem>>
    %dma_start3A_6 = arith.constant 0 : i32
    %dma_start3A_7 = arith.constant 0 : i32
    %dma_start3A_8 = arith.constant 128 : i32
    %dma_start3A_9 = tpu.memref_slice %arg2[%dma_start3A_6, %dma_start3A_7, %dma_start3A_8] : memref<4x8x1008xf32, #tpu.memory_space<hbm>> -> memref<4x8x880xf32, #tpu.memory_space<hbm>>
    %dma_start3A_10 = arith.constant 0 : i32
    %dma_start3A_11 = arith.constant 0 : i32
    %dma_start3A_12 = arith.constant 128 : i32
    %dma_start3A_13 = tpu.memref_slice %arg5[%dma_start3A_10, %dma_start3A_11, %dma_start3A_12] : memref<4x8x1008xf32, #tpu.memory_space<vmem>> -> memref<4x8x880xf32, #tpu.memory_space<vmem>>
    %dma_start3A_14 = arith.constant 0 : i32
    %dma_start3A_15 = arith.constant 0 : i32
    %dma_start3A_16 = arith.constant 128 : i32
    %dma_start3A_17 = tpu.memref_slice %arg2[%dma_start3A_14, %dma_start3A_15, %dma_start3A_16] : memref<4x8x1008xf32, #tpu.memory_space<hbm>> -> memref<4x8x880xf32, #tpu.memory_space<hbm>>
    tpu.enqueue_dma source(%dma_start3A_17 : memref<4x8x880xf32, #tpu.memory_space<hbm>>) target(%dma_start3A_13 : memref<4x8x880xf32, #tpu.memory_space<vmem>>) target_semaphore(%arg10 : memref<!tpu.dma_semaphore, #tpu.memory_space<semaphore_mem>>)
    "tpu.region"() ({
      %run_scoped3A_72 = tpu.sem_alloc : memref<!tpu.dma_semaphore, #tpu.memory_space<semaphore_mem>>
      %dma_start3A_73 = arith.constant 0 : i32
      %dma_start3A_74 = tpu.memref_slice %arg3[%mul3A_2, %dma_start3A_73] : memref<1024x16xf32, #tpu.memory_space<hbm>> -> memref<32x16xf32, #tpu.memory_space<hbm>>
      %dma_start3A_75 = arith.constant 0 : i32
      %dma_start3A_76 = tpu.memref_slice %arg3[%mul3A_2, %dma_start3A_75] : memref<1024x16xf32, #tpu.memory_space<hbm>> -> memref<32x16xf32, #tpu.memory_space<hbm>>
      tpu.enqueue_dma source(%dma_start3A_76 : memref<32x16xf32, #tpu.memory_space<hbm>>) target(%arg6 : memref<32x16xf32, #tpu.memory_space<vmem>>) target_semaphore(%run_scoped3A_72 : memref<!tpu.dma_semaphore, #tpu.memory_space<semaphore_mem>>)
      %dma_wait3A_77 = arith.constant 0 : i32
      %dma_wait3A_78 = tpu.memref_slice %arg3[%mul3A_2, %dma_wait3A_77] : memref<1024x16xf32, #tpu.memory_space<hbm>> -> memref<32x16xf32, #tpu.memory_space<hbm>>
      %dma_wait3A_79 = arith.constant 0 : i32
      %dma_wait3A_80 = tpu.memref_slice %arg3[%mul3A_2, %dma_wait3A_79] : memref<1024x16xf32, #tpu.memory_space<hbm>> -> memref<32x16xf32, #tpu.memory_space<hbm>>
      tpu.wait_dma2 semaphore(%run_scoped3A_72 : memref<!tpu.dma_semaphore, #tpu.memory_space<semaphore_mem>>) src(%dma_wait3A_80 : memref<32x16xf32, #tpu.memory_space<hbm>>) dst(%arg6 : memref<32x16xf32, #tpu.memory_space<vmem>>)
      tpu.yield
    }) : () -> ()
    "tpu.trace_stop"() : () -> ()
    %iota3A = tpu.iota {dimensions = array<i32: 0>} : vector<16xi32>
    "tpu.trace_start"() <{level = 10 : i32, message = "enqueue"}> : () -> ()
    %scan3A = arith.constant 0 : i32
    %scan3A_18 = arith.constant 0 : i32
    %scan3A_19 = arith.constant 32 : i32
    %scan3A_20 = arith.addi %scan3A_18, %scan3A_19 : i32
    %scan3A_21 = arith.constant 1 : i32
    %scan3A_22 = scf.for %scan3A_72 = %scan3A_18 to %scan3A_20 step %scan3A_21 iter_args(%scan3A_73 = %scan3A) -> (i32)  : i32 {
      %get3A = arith.index_cast %scan3A_72 : i32 to index
      %get3A_74 = arith.constant 0 : index
      %get3A_75 = tpu.vector_load %arg6[%get3A, %get3A_74] {strides = array<i32>} : memref<32x16xf32, #tpu.memory_space<vmem>>, vector<1x16xf32>,
      %get3A_76 = vector.shape_cast %get3A_75 : vector<1x16xf32> to vector<16xf32>
      %slice3A = vector.extract_strided_slice %get3A_76 {offsets = [2], sizes = [1], strides = [1]} : vector<16xf32> to vector<1xf32>
      %squeeze3A = vector.extract %slice3A[0] : f32 from vector<1xf32>
      %slice3A_77 = vector.extract_strided_slice %get3A_76 {offsets = [0], sizes = [1], strides = [1]} : vector<16xf32> to vector<1xf32>
      %squeeze3A_78 = vector.extract %slice3A_77[0] : f32 from vector<1xf32>
      %gt3A_79 = arith.cmpf ogt, %squeeze3A, %squeeze3A_78 : f32
      %slice3A_80 = vector.extract_strided_slice %get3A_76 {offsets = [3], sizes = [1], strides = [1]} : vector<16xf32> to vector<1xf32>
      %squeeze3A_81 = vector.extract %slice3A_80[0] : f32 from vector<1xf32>
      %slice3A_82 = vector.extract_strided_slice %get3A_76 {offsets = [1], sizes = [1], strides = [1]} : vector<16xf32> to vector<1xf32>
      %squeeze3A_83 = vector.extract %slice3A_82[0] : f32 from vector<1xf32>
      %gt3A_84 = arith.cmpf ogt, %squeeze3A_81, %squeeze3A_83 : f32
      %and3A = arith.andi %gt3A_79, %gt3A_84 : i1
      %mul3A_85 = arith.constant 8 : i32
      %mul3A_86 = arith.muli %scan3A_72, %mul3A_85 : i32
      %add3A_87 = arith.constant 0 : i32
      %add3A_88 = arith.addi %mul3A_86, %add3A_87 : i32
      %swap3A = arith.constant 8000 : i32
      %swap3A_89 = arith.index_cast %add3A_88 : i32 to index
      %swap3A_90 = memref.load %arg9[%swap3A_89] : memref<256xi32, #tpu.memory_space<smem>>
      memref.store %swap3A, %arg9[%swap3A_89] : memref<256xi32, #tpu.memory_space<smem>>
      %mul3A_91 = arith.constant 8 : i32
      %mul3A_92 = arith.muli %scan3A_72, %mul3A_91 : i32
      %add3A_93 = arith.constant 0 : i32
      %add3A_94 = arith.addi %mul3A_92, %add3A_93 : i32
      %add3A_95 = arith.constant 0 : i32
      %add3A_96 = arith.addi %scan3A_73, %add3A_95 : i32
      %swap3A_97 = arith.index_cast %add3A_96 : i32 to index
      %swap3A_98 = memref.load %arg8[%swap3A_97] : memref<256xi32, #tpu.memory_space<smem>>
      memref.store %add3A_94, %arg8[%swap3A_97] : memref<256xi32, #tpu.memory_space<smem>>
      %mul3A_99 = arith.constant 8 : i32
      %mul3A_100 = arith.muli %scan3A_72, %mul3A_99 : i32
      %add3A_101 = arith.constant 1 : i32
      %add3A_102 = arith.addi %mul3A_100, %add3A_101 : i32
      %swap3A_103 = arith.constant 8000 : i32
      %swap3A_104 = arith.index_cast %add3A_102 : i32 to index
      %swap3A_105 = memref.load %arg9[%swap3A_104] : memref<256xi32, #tpu.memory_space<smem>>
      memref.store %swap3A_103, %arg9[%swap3A_104] : memref<256xi32, #tpu.memory_space<smem>>
      %mul3A_106 = arith.constant 8 : i32
      %mul3A_107 = arith.muli %scan3A_72, %mul3A_106 : i32
      %add3A_108 = arith.constant 1 : i32
      %add3A_109 = arith.addi %mul3A_107, %add3A_108 : i32
      %add3A_110 = arith.constant 1 : i32
      %add3A_111 = arith.addi %scan3A_73, %add3A_110 : i32
      %swap3A_112 = arith.index_cast %add3A_111 : i32 to index
      %swap3A_113 = memref.load %arg8[%swap3A_112] : memref<256xi32, #tpu.memory_space<smem>>
      memref.store %add3A_109, %arg8[%swap3A_112] : memref<256xi32, #tpu.memory_space<smem>>
      %mul3A_114 = arith.constant 8 : i32
      %mul3A_115 = arith.muli %scan3A_72, %mul3A_114 : i32
      %add3A_116 = arith.constant 2 : i32
      %add3A_117 = arith.addi %mul3A_115, %add3A_116 : i32
      %swap3A_118 = arith.constant 8000 : i32
      %swap3A_119 = arith.index_cast %add3A_117 : i32 to index
      %swap3A_120 = memref.load %arg9[%swap3A_119] : memref<256xi32, #tpu.memory_space<smem>>
      memref.store %swap3A_118, %arg9[%swap3A_119] : memref<256xi32, #tpu.memory_space<smem>>
      %mul3A_121 = arith.constant 8 : i32
      %mul3A_122 = arith.muli %scan3A_72, %mul3A_121 : i32
      %add3A_123 = arith.constant 2 : i32
      %add3A_124 = arith.addi %mul3A_122, %add3A_123 : i32
      %add3A_125 = arith.constant 2 : i32
      %add3A_126 = arith.addi %scan3A_73, %add3A_125 : i32
      %swap3A_127 = arith.index_cast %add3A_126 : i32 to index
      %swap3A_128 = memref.load %arg8[%swap3A_127] : memref<256xi32, #tpu.memory_space<smem>>
      memref.store %add3A_124, %arg8[%swap3A_127] : memref<256xi32, #tpu.memory_space<smem>>
      %mul3A_129 = arith.constant 8 : i32
      %mul3A_130 = arith.muli %scan3A_72, %mul3A_129 : i32
      %add3A_131 = arith.constant 3 : i32
      %add3A_132 = arith.addi %mul3A_130, %add3A_131 : i32
      %swap3A_133 = arith.constant 8000 : i32
      %swap3A_134 = arith.index_cast %add3A_132 : i32 to index
      %swap3A_135 = memref.load %arg9[%swap3A_134] : memref<256xi32, #tpu.memory_space<smem>>
      memref.store %swap3A_133, %arg9[%swap3A_134] : memref<256xi32, #tpu.memory_space<smem>>
      %mul3A_136 = arith.constant 8 : i32
      %mul3A_137 = arith.muli %scan3A_72, %mul3A_136 : i32
      %add3A_138 = arith.constant 3 : i32
      %add3A_139 = arith.addi %mul3A_137, %add3A_138 : i32
      %add3A_140 = arith.constant 3 : i32
      %add3A_141 = arith.addi %scan3A_73, %add3A_140 : i32
      %swap3A_142 = arith.index_cast %add3A_141 : i32 to index
      %swap3A_143 = memref.load %arg8[%swap3A_142] : memref<256xi32, #tpu.memory_space<smem>>
      memref.store %add3A_139, %arg8[%swap3A_142] : memref<256xi32, #tpu.memory_space<smem>>
      %mul3A_144 = arith.constant 8 : i32
      %mul3A_145 = arith.muli %scan3A_72, %mul3A_144 : i32
      %add3A_146 = arith.constant 4 : i32
      %add3A_147 = arith.addi %mul3A_145, %add3A_146 : i32
      %swap3A_148 = arith.constant 8000 : i32
      %swap3A_149 = arith.index_cast %add3A_147 : i32 to index
      %swap3A_150 = memref.load %arg9[%swap3A_149] : memref<256xi32, #tpu.memory_space<smem>>
      memref.store %swap3A_148, %arg9[%swap3A_149] : memref<256xi32, #tpu.memory_space<smem>>
      %mul3A_151 = arith.constant 8 : i32
      %mul3A_152 = arith.muli %scan3A_72, %mul3A_151 : i32
      %add3A_153 = arith.constant 4 : i32
      %add3A_154 = arith.addi %mul3A_152, %add3A_153 : i32
      %add3A_155 = arith.constant 4 : i32
      %add3A_156 = arith.addi %scan3A_73, %add3A_155 : i32
      %swap3A_157 = arith.index_cast %add3A_156 : i32 to index
      %swap3A_158 = memref.load %arg8[%swap3A_157] : memref<256xi32, #tpu.memory_space<smem>>
      memref.store %add3A_154, %arg8[%swap3A_157] : memref<256xi32, #tpu.memory_space<smem>>
      %mul3A_159 = arith.constant 8 : i32
      %mul3A_160 = arith.muli %scan3A_72, %mul3A_159 : i32
      %add3A_161 = arith.constant 5 : i32
      %add3A_162 = arith.addi %mul3A_160, %add3A_161 : i32
      %swap3A_163 = arith.constant 8000 : i32
      %swap3A_164 = arith.index_cast %add3A_162 : i32 to index
      %swap3A_165 = memref.load %arg9[%swap3A_164] : memref<256xi32, #tpu.memory_space<smem>>
      memref.store %swap3A_163, %arg9[%swap3A_164] : memref<256xi32, #tpu.memory_space<smem>>
      %mul3A_166 = arith.constant 8 : i32
      %mul3A_167 = arith.muli %scan3A_72, %mul3A_166 : i32
      %add3A_168 = arith.constant 5 : i32
      %add3A_169 = arith.addi %mul3A_167, %add3A_168 : i32
      %add3A_170 = arith.constant 5 : i32
      %add3A_171 = arith.addi %scan3A_73, %add3A_170 : i32
      %swap3A_172 = arith.index_cast %add3A_171 : i32 to index
      %swap3A_173 = memref.load %arg8[%swap3A_172] : memref<256xi32, #tpu.memory_space<smem>>
      memref.store %add3A_169, %arg8[%swap3A_172] : memref<256xi32, #tpu.memory_space<smem>>
      %mul3A_174 = arith.constant 8 : i32
      %mul3A_175 = arith.muli %scan3A_72, %mul3A_174 : i32
      %add3A_176 = arith.constant 6 : i32
      %add3A_177 = arith.addi %mul3A_175, %add3A_176 : i32
      %swap3A_178 = arith.constant 8000 : i32
      %swap3A_179 = arith.index_cast %add3A_177 : i32 to index
      %swap3A_180 = memref.load %arg9[%swap3A_179] : memref<256xi32, #tpu.memory_space<smem>>
      memref.store %swap3A_178, %arg9[%swap3A_179] : memref<256xi32, #tpu.memory_space<smem>>
      %mul3A_181 = arith.constant 8 : i32
      %mul3A_182 = arith.muli %scan3A_72, %mul3A_181 : i32
      %add3A_183 = arith.constant 6 : i32
      %add3A_184 = arith.addi %mul3A_182, %add3A_183 : i32
      %add3A_185 = arith.constant 6 : i32
      %add3A_186 = arith.addi %scan3A_73, %add3A_185 : i32
      %swap3A_187 = arith.index_cast %add3A_186 : i32 to index
      %swap3A_188 = memref.load %arg8[%swap3A_187] : memref<256xi32, #tpu.memory_space<smem>>
      memref.store %add3A_184, %arg8[%swap3A_187] : memref<256xi32, #tpu.memory_space<smem>>
      %mul3A_189 = arith.constant 8 : i32
      %mul3A_190 = arith.muli %scan3A_72, %mul3A_189 : i32
      %add3A_191 = arith.constant 7 : i32
      %add3A_192 = arith.addi %mul3A_190, %add3A_191 : i32
      %swap3A_193 = arith.constant 8000 : i32
      %swap3A_194 = arith.index_cast %add3A_192 : i32 to index
      %swap3A_195 = memref.load %arg9[%swap3A_194] : memref<256xi32, #tpu.memory_space<smem>>
      memref.store %swap3A_193, %arg9[%swap3A_194] : memref<256xi32, #tpu.memory_space<smem>>
      %mul3A_196 = arith.constant 8 : i32
      %mul3A_197 = arith.muli %scan3A_72, %mul3A_196 : i32
      %add3A_198 = arith.constant 7 : i32
      %add3A_199 = arith.addi %mul3A_197, %add3A_198 : i32
      %add3A_200 = arith.constant 7 : i32
      %add3A_201 = arith.addi %scan3A_73, %add3A_200 : i32
      %swap3A_202 = arith.index_cast %add3A_201 : i32 to index
      %swap3A_203 = memref.load %arg8[%swap3A_202] : memref<256xi32, #tpu.memory_space<smem>>
      memref.store %add3A_199, %arg8[%swap3A_202] : memref<256xi32, #tpu.memory_space<smem>>
      %jit3A_204 = arith.constant 8 : i32
      %jit3A_205 = arith.constant 0 : i32
      %select_n3A_206 = arith.select %and3A, %jit3A_204, %jit3A_205 : i32
      %add3A_207 = arith.addi %scan3A_73, %select_n3A_206 : i32
      scf.yield %add3A_207 : i32
    }
    %scan3A_23 = arith.constant 32 : i32
    "tpu.trace_stop"() : () -> ()
    "tpu.trace_start"() <{level = 10 : i32, message = "scan"}> : () -> ()
    %scan3A_24 = arith.constant 0 : i32
    %scan3A_25 = arith.constant 8 : i32
    %scan3A_26 = arith.addi %scan3A_24, %scan3A_25 : i32
    %scan3A_27 = arith.constant 1 : i32
    %scan3A_28 = scf.for %scan3A_72 = %scan3A_24 to %scan3A_26 step %scan3A_27 iter_args(%scan3A_73 = %scan3A_22) -> (i32)  : i32 {
      %mul3A_74 = arith.constant 16 : i32
      %mul3A_75 = arith.muli %scan3A_72, %mul3A_74 : i32
      %while3A_76 = arith.constant 0 : i32
      %while3A_77 = arith.constant 0 : i32
      %while3A_78 = arith.subi %scan3A_73, %while3A_76 : i32
      %while3A_79 = arith.addi %while3A_76, %while3A_78 : i32
      %while3A_80 = arith.constant 1 : i32
      %while3A_81 = arith.divsi %while3A_78, %while3A_80 : i32
      %while3A_82 = arith.muli %while3A_81, %while3A_80 : i32
      %while3A_83 = arith.addi %while3A_76, %while3A_82 : i32
      %while3A_84 = arith.constant 1 : i32
      %while3A_85 = scf.for %while3A_88 = %while3A_76 to %while3A_83 step %while3A_84 iter_args(%while3A_89 = %while3A_77) -> (i32)  : i32 {
        %get3A = arith.index_cast %while3A_88 : i32 to index
        %get3A_90 = memref.load %arg8[%get3A] : memref<256xi32, #tpu.memory_space<smem>>
        %shift_right_arithmetic3A = arith.constant 3 : i32
        %shift_right_arithmetic3A_91 = arith.shrsi %get3A_90, %shift_right_arithmetic3A : i32
        %and3A = arith.constant 7 : i32
        %and3A_92 = arith.andi %get3A_90, %and3A : i32
        %get3A_93 = arith.index_cast %shift_right_arithmetic3A_91 : i32 to index
        %get3A_94 = arith.constant 0 : index
        %get3A_95 = tpu.vector_load %arg6[%get3A_93, %get3A_94] {strides = array<i32>} : memref<32x16xf32, #tpu.memory_space<vmem>>, vector<1x16xf32>,
        %get3A_96 = vector.shape_cast %get3A_95 : vector<1x16xf32> to vector<16xf32>
        %slice3A = vector.extract_strided_slice %get3A_96 {offsets = [0], sizes = [1], strides = [1]} : vector<16xf32> to vector<1xf32>
        %squeeze3A = vector.extract %slice3A[0] : f32 from vector<1xf32>
        %broadcast_in_dim3A = vector.broadcast %squeeze3A : f32 to vector<16xf32>
        %slice3A_97 = vector.extract_strided_slice %get3A_96 {offsets = [1], sizes = [1], strides = [1]} : vector<16xf32> to vector<1xf32>
        %squeeze3A_98 = vector.extract %slice3A_97[0] : f32 from vector<1xf32>
        %broadcast_in_dim3A_99 = vector.broadcast %squeeze3A_98 : f32 to vector<16xf32>
        %slice3A_100 = vector.extract_strided_slice %get3A_96 {offsets = [2], sizes = [1], strides = [1]} : vector<16xf32> to vector<1xf32>
        %squeeze3A_101 = vector.extract %slice3A_100[0] : f32 from vector<1xf32>
        %broadcast_in_dim3A_102 = vector.broadcast %squeeze3A_101 : f32 to vector<16xf32>
        %slice3A_103 = vector.extract_strided_slice %get3A_96 {offsets = [3], sizes = [1], strides = [1]} : vector<16xf32> to vector<1xf32>
        %squeeze3A_104 = vector.extract %slice3A_103[0] : f32 from vector<1xf32>
        %broadcast_in_dim3A_105 = vector.broadcast %squeeze3A_104 : f32 to vector<16xf32>
        %get3A_106 = arith.constant 2 : i32
        %get3A_107 = arith.index_cast %get3A_106 : i32 to index
        %get3A_108 = arith.index_cast %and3A_92 : i32 to index
        %get3A_109 = arith.index_cast %mul3A_75 : i32 to index
        %get3A_110 = tpu.vector_load %arg5[%get3A_107, %get3A_108, %get3A_109] {strides = array<i32>} : memref<4x8x1008xf32, #tpu.memory_space<vmem>>, vector<1x1x16xf32>,
        %get3A_111 = vector.shape_cast %get3A_110 : vector<1x1x16xf32> to vector<16xf32>
        %min3A = arith.minimumf %broadcast_in_dim3A_102, %get3A_111 : vector<16xf32>
        %get3A_112 = arith.constant 0 : i32
        %get3A_113 = arith.index_cast %get3A_112 : i32 to index
        %get3A_114 = arith.index_cast %and3A_92 : i32 to index
        %get3A_115 = arith.index_cast %mul3A_75 : i32 to index
        %get3A_116 = tpu.vector_load %arg5[%get3A_113, %get3A_114, %get3A_115] {strides = array<i32>} : memref<4x8x1008xf32, #tpu.memory_space<vmem>>, vector<1x1x16xf32>,
        %get3A_117 = vector.shape_cast %get3A_116 : vector<1x1x16xf32> to vector<16xf32>
        %max3A = arith.maximumf %broadcast_in_dim3A, %get3A_117 : vector<16xf32>
        %sub3A = arith.subf %min3A, %max3A : vector<16xf32>
        %gt3A_118 = arith.constant 0.000000e+00 : f32
        %gt3A_119 = vector.broadcast %gt3A_118 : f32 to vector<16xf32>
        %gt3A_120 = arith.cmpf ogt, %sub3A, %gt3A_119 : vector<16xf32>
        %get3A_121 = arith.constant 3 : i32
        %get3A_122 = arith.index_cast %get3A_121 : i32 to index
        %get3A_123 = arith.index_cast %and3A_92 : i32 to index
        %get3A_124 = arith.index_cast %mul3A_75 : i32 to index
        %get3A_125 = tpu.vector_load %arg5[%get3A_122, %get3A_123, %get3A_124] {strides = array<i32>} : memref<4x8x1008xf32, #tpu.memory_space<vmem>>, vector<1x1x16xf32>,
        %get3A_126 = vector.shape_cast %get3A_125 : vector<1x1x16xf32> to vector<16xf32>
        %min3A_127 = arith.minimumf %broadcast_in_dim3A_105, %get3A_126 : vector<16xf32>
        %get3A_128 = arith.constant 1 : i32
        %get3A_129 = arith.index_cast %get3A_128 : i32 to index
        %get3A_130 = arith.index_cast %and3A_92 : i32 to index
        %get3A_131 = arith.index_cast %mul3A_75 : i32 to index
        %get3A_132 = tpu.vector_load %arg5[%get3A_129, %get3A_130, %get3A_131] {strides = array<i32>} : memref<4x8x1008xf32, #tpu.memory_space<vmem>>, vector<1x1x16xf32>,
        %get3A_133 = vector.shape_cast %get3A_132 : vector<1x1x16xf32> to vector<16xf32>
        %max3A_134 = arith.maximumf %broadcast_in_dim3A_99, %get3A_133 : vector<16xf32>
        %sub3A_135 = arith.subf %min3A_127, %max3A_134 : vector<16xf32>
        %gt3A_136 = arith.constant 0.000000e+00 : f32
        %gt3A_137 = vector.broadcast %gt3A_136 : f32 to vector<16xf32>
        %gt3A_138 = arith.cmpf ogt, %sub3A_135, %gt3A_137 : vector<16xf32>
        %and3A_139 = arith.andi %gt3A_120, %gt3A_138 : vector<16xi1>
        %jit3A_140 = arith.constant 16 : i32
        %broadcast_in_dim3A_141 = vector.broadcast %jit3A_140 : i32 to vector<16xi32>
        %select_n3A_142 = arith.select %and3A_139, %iota3A, %broadcast_in_dim3A_141 : vector<16xi1>, vector<16xi32>
        %slice3A_143 = vector.extract_strided_slice %select_n3A_142 {offsets = [0], sizes = [1], strides = [1]} : vector<16xi32> to vector<1xi32>
        %squeeze3A_144 = vector.extract %slice3A_143[0] : i32 from vector<1xi32>
        %slice3A_145 = vector.extract_strided_slice %select_n3A_142 {offsets = [1], sizes = [1], strides = [1]} : vector<16xi32> to vector<1xi32>
        %squeeze3A_146 = vector.extract %slice3A_145[0] : i32 from vector<1xi32>
        %slice3A_147 = vector.extract_strided_slice %select_n3A_142 {offsets = [2], sizes = [1], strides = [1]} : vector<16xi32> to vector<1xi32>
        %squeeze3A_148 = vector.extract %slice3A_147[0] : i32 from vector<1xi32>
        %slice3A_149 = vector.extract_strided_slice %select_n3A_142 {offsets = [3], sizes = [1], strides = [1]} : vector<16xi32> to vector<1xi32>
        %squeeze3A_150 = vector.extract %slice3A_149[0] : i32 from vector<1xi32>
        %slice3A_151 = vector.extract_strided_slice %select_n3A_142 {offsets = [4], sizes = [1], strides = [1]} : vector<16xi32> to vector<1xi32>
        %squeeze3A_152 = vector.extract %slice3A_151[0] : i32 from vector<1xi32>
        %slice3A_153 = vector.extract_strided_slice %select_n3A_142 {offsets = [5], sizes = [1], strides = [1]} : vector<16xi32> to vector<1xi32>
        %squeeze3A_154 = vector.extract %slice3A_153[0] : i32 from vector<1xi32>
        %slice3A_155 = vector.extract_strided_slice %select_n3A_142 {offsets = [6], sizes = [1], strides = [1]} : vector<16xi32> to vector<1xi32>
        %squeeze3A_156 = vector.extract %slice3A_155[0] : i32 from vector<1xi32>
        %slice3A_157 = vector.extract_strided_slice %select_n3A_142 {offsets = [7], sizes = [1], strides = [1]} : vector<16xi32> to vector<1xi32>
        %squeeze3A_158 = vector.extract %slice3A_157[0] : i32 from vector<1xi32>
        %slice3A_159 = vector.extract_strided_slice %select_n3A_142 {offsets = [8], sizes = [1], strides = [1]} : vector<16xi32> to vector<1xi32>
        %squeeze3A_160 = vector.extract %slice3A_159[0] : i32 from vector<1xi32>
        %slice3A_161 = vector.extract_strided_slice %select_n3A_142 {offsets = [9], sizes = [1], strides = [1]} : vector<16xi32> to vector<1xi32>
        %squeeze3A_162 = vector.extract %slice3A_161[0] : i32 from vector<1xi32>
        %slice3A_163 = vector.extract_strided_slice %select_n3A_142 {offsets = [10], sizes = [1], strides = [1]} : vector<16xi32> to vector<1xi32>
        %squeeze3A_164 = vector.extract %slice3A_163[0] : i32 from vector<1xi32>
        %slice3A_165 = vector.extract_strided_slice %select_n3A_142 {offsets = [11], sizes = [1], strides = [1]} : vector<16xi32> to vector<1xi32>
        %squeeze3A_166 = vector.extract %slice3A_165[0] : i32 from vector<1xi32>
        %slice3A_167 = vector.extract_strided_slice %select_n3A_142 {offsets = [12], sizes = [1], strides = [1]} : vector<16xi32> to vector<1xi32>
        %squeeze3A_168 = vector.extract %slice3A_167[0] : i32 from vector<1xi32>
        %slice3A_169 = vector.extract_strided_slice %select_n3A_142 {offsets = [13], sizes = [1], strides = [1]} : vector<16xi32> to vector<1xi32>
        %squeeze3A_170 = vector.extract %slice3A_169[0] : i32 from vector<1xi32>
        %slice3A_171 = vector.extract_strided_slice %select_n3A_142 {offsets = [14], sizes = [1], strides = [1]} : vector<16xi32> to vector<1xi32>
        %squeeze3A_172 = vector.extract %slice3A_171[0] : i32 from vector<1xi32>
        %slice3A_173 = vector.extract_strided_slice %select_n3A_142 {offsets = [15], sizes = [1], strides = [1]} : vector<16xi32> to vector<1xi32>
        %squeeze3A_174 = vector.extract %slice3A_173[0] : i32 from vector<1xi32>
        %min3A_175 = arith.minsi %squeeze3A_144, %squeeze3A_146 : i32
        %min3A_176 = arith.minsi %squeeze3A_148, %squeeze3A_150 : i32
        %min3A_177 = arith.minsi %squeeze3A_152, %squeeze3A_154 : i32
        %min3A_178 = arith.minsi %squeeze3A_156, %squeeze3A_158 : i32
        %min3A_179 = arith.minsi %squeeze3A_160, %squeeze3A_162 : i32
        %min3A_180 = arith.minsi %squeeze3A_164, %squeeze3A_166 : i32
        %min3A_181 = arith.minsi %squeeze3A_168, %squeeze3A_170 : i32
        %min3A_182 = arith.minsi %squeeze3A_172, %squeeze3A_174 : i32
        %min3A_183 = arith.minsi %min3A_175, %min3A_176 : i32
        %min3A_184 = arith.minsi %min3A_177, %min3A_178 : i32
        %min3A_185 = arith.minsi %min3A_179, %min3A_180 : i32
        %min3A_186 = arith.minsi %min3A_181, %min3A_182 : i32
        %min3A_187 = arith.minsi %min3A_183, %min3A_184 : i32
        %min3A_188 = arith.minsi %min3A_185, %min3A_186 : i32
        %min3A_189 = arith.minsi %min3A_187, %min3A_188 : i32
        %lt3A = arith.constant 16 : i32
        %lt3A_190 = arith.cmpi slt, %min3A_189, %lt3A : i32
        %mul3A_191 = arith.constant 1000 : i32
        %mul3A_192 = arith.muli %and3A_92, %mul3A_191 : i32
        %mul3A_193 = arith.constant 16 : i32
        %mul3A_194 = arith.muli %scan3A_72, %mul3A_193 : i32
        %add3A_195 = arith.addi %mul3A_192, %mul3A_194 : i32
        %add3A_196 = arith.addi %add3A_195, %min3A_189 : i32
        %jit3A_197 = arith.constant 8000 : i32
        %select_n3A_198 = arith.select %lt3A_190, %add3A_196, %jit3A_197 : i32
        %swap3A = arith.index_cast %get3A_90 : i32 to index
        %swap3A_199 = memref.load %arg9[%swap3A] : memref<256xi32, #tpu.memory_space<smem>>
        memref.store %select_n3A_198, %arg9[%swap3A] : memref<256xi32, #tpu.memory_space<smem>>
        %swap3A_200 = arith.index_cast %while3A_89 : i32 to index
        %swap3A_201 = memref.load %arg8[%swap3A_200] : memref<256xi32, #tpu.memory_space<smem>>
        memref.store %get3A_90, %arg8[%swap3A_200] : memref<256xi32, #tpu.memory_space<smem>>
        %jit3A_202 = arith.constant 0 : i32
        %jit3A_203 = arith.constant 1 : i32
        %select_n3A_204 = arith.select %lt3A_190, %jit3A_202, %jit3A_203 : i32
        %add3A_205 = arith.addi %while3A_89, %select_n3A_204 : i32
        scf.yield %add3A_205 : i32
      }
      %while3A_86 = arith.constant 1 : i32
      %while3A_87 = scf.for %while3A_88 = %while3A_83 to %while3A_79 step %while3A_86 iter_args(%while3A_89 = %while3A_85) -> (i32)  : i32 {
        %get3A = arith.index_cast %while3A_88 : i32 to index
        %get3A_90 = memref.load %arg8[%get3A] : memref<256xi32, #tpu.memory_space<smem>>
        %shift_right_arithmetic3A = arith.constant 3 : i32
        %shift_right_arithmetic3A_91 = arith.shrsi %get3A_90, %shift_right_arithmetic3A : i32
        %and3A = arith.constant 7 : i32
        %and3A_92 = arith.andi %get3A_90, %and3A : i32
        %get3A_93 = arith.index_cast %shift_right_arithmetic3A_91 : i32 to index
        %get3A_94 = arith.constant 0 : index
        %get3A_95 = tpu.vector_load %arg6[%get3A_93, %get3A_94] {strides = array<i32>} : memref<32x16xf32, #tpu.memory_space<vmem>>, vector<1x16xf32>,
        %get3A_96 = vector.shape_cast %get3A_95 : vector<1x16xf32> to vector<16xf32>
        %slice3A = vector.extract_strided_slice %get3A_96 {offsets = [0], sizes = [1], strides = [1]} : vector<16xf32> to vector<1xf32>
        %squeeze3A = vector.extract %slice3A[0] : f32 from vector<1xf32>
        %broadcast_in_dim3A = vector.broadcast %squeeze3A : f32 to vector<16xf32>
        %slice3A_97 = vector.extract_strided_slice %get3A_96 {offsets = [1], sizes = [1], strides = [1]} : vector<16xf32> to vector<1xf32>
        %squeeze3A_98 = vector.extract %slice3A_97[0] : f32 from vector<1xf32>
        %broadcast_in_dim3A_99 = vector.broadcast %squeeze3A_98 : f32 to vector<16xf32>
        %slice3A_100 = vector.extract_strided_slice %get3A_96 {offsets = [2], sizes = [1], strides = [1]} : vector<16xf32> to vector<1xf32>
        %squeeze3A_101 = vector.extract %slice3A_100[0] : f32 from vector<1xf32>
        %broadcast_in_dim3A_102 = vector.broadcast %squeeze3A_101 : f32 to vector<16xf32>
        %slice3A_103 = vector.extract_strided_slice %get3A_96 {offsets = [3], sizes = [1], strides = [1]} : vector<16xf32> to vector<1xf32>
        %squeeze3A_104 = vector.extract %slice3A_103[0] : f32 from vector<1xf32>
        %broadcast_in_dim3A_105 = vector.broadcast %squeeze3A_104 : f32 to vector<16xf32>
        %get3A_106 = arith.constant 2 : i32
        %get3A_107 = arith.index_cast %get3A_106 : i32 to index
        %get3A_108 = arith.index_cast %and3A_92 : i32 to index
        %get3A_109 = arith.index_cast %mul3A_75 : i32 to index
        %get3A_110 = tpu.vector_load %arg5[%get3A_107, %get3A_108, %get3A_109] {strides = array<i32>} : memref<4x8x1008xf32, #tpu.memory_space<vmem>>, vector<1x1x16xf32>,
        %get3A_111 = vector.shape_cast %get3A_110 : vector<1x1x16xf32> to vector<16xf32>
        %min3A = arith.minimumf %broadcast_in_dim3A_102, %get3A_111 : vector<16xf32>
        %get3A_112 = arith.constant 0 : i32
        %get3A_113 = arith.index_cast %get3A_112 : i32 to index
        %get3A_114 = arith.index_cast %and3A_92 : i32 to index
        %get3A_115 = arith.index_cast %mul3A_75 : i32 to index
        %get3A_116 = tpu.vector_load %arg5[%get3A_113, %get3A_114, %get3A_115] {strides = array<i32>} : memref<4x8x1008xf32, #tpu.memory_space<vmem>>, vector<1x1x16xf32>,
        %get3A_117 = vector.shape_cast %get3A_116 : vector<1x1x16xf32> to vector<16xf32>
        %max3A = arith.maximumf %broadcast_in_dim3A, %get3A_117 : vector<16xf32>
        %sub3A = arith.subf %min3A, %max3A : vector<16xf32>
        %gt3A_118 = arith.constant 0.000000e+00 : f32
        %gt3A_119 = vector.broadcast %gt3A_118 : f32 to vector<16xf32>
        %gt3A_120 = arith.cmpf ogt, %sub3A, %gt3A_119 : vector<16xf32>
        %get3A_121 = arith.constant 3 : i32
        %get3A_122 = arith.index_cast %get3A_121 : i32 to index
        %get3A_123 = arith.index_cast %and3A_92 : i32 to index
        %get3A_124 = arith.index_cast %mul3A_75 : i32 to index
        %get3A_125 = tpu.vector_load %arg5[%get3A_122, %get3A_123, %get3A_124] {strides = array<i32>} : memref<4x8x1008xf32, #tpu.memory_space<vmem>>, vector<1x1x16xf32>,
        %get3A_126 = vector.shape_cast %get3A_125 : vector<1x1x16xf32> to vector<16xf32>
        %min3A_127 = arith.minimumf %broadcast_in_dim3A_105, %get3A_126 : vector<16xf32>
        %get3A_128 = arith.constant 1 : i32
        %get3A_129 = arith.index_cast %get3A_128 : i32 to index
        %get3A_130 = arith.index_cast %and3A_92 : i32 to index
        %get3A_131 = arith.index_cast %mul3A_75 : i32 to index
        %get3A_132 = tpu.vector_load %arg5[%get3A_129, %get3A_130, %get3A_131] {strides = array<i32>} : memref<4x8x1008xf32, #tpu.memory_space<vmem>>, vector<1x1x16xf32>,
        %get3A_133 = vector.shape_cast %get3A_132 : vector<1x1x16xf32> to vector<16xf32>
        %max3A_134 = arith.maximumf %broadcast_in_dim3A_99, %get3A_133 : vector<16xf32>
        %sub3A_135 = arith.subf %min3A_127, %max3A_134 : vector<16xf32>
        %gt3A_136 = arith.constant 0.000000e+00 : f32
        %gt3A_137 = vector.broadcast %gt3A_136 : f32 to vector<16xf32>
        %gt3A_138 = arith.cmpf ogt, %sub3A_135, %gt3A_137 : vector<16xf32>
        %and3A_139 = arith.andi %gt3A_120, %gt3A_138 : vector<16xi1>
        %jit3A_140 = arith.constant 16 : i32
        %broadcast_in_dim3A_141 = vector.broadcast %jit3A_140 : i32 to vector<16xi32>
        %select_n3A_142 = arith.select %and3A_139, %iota3A, %broadcast_in_dim3A_141 : vector<16xi1>, vector<16xi32>
        %slice3A_143 = vector.extract_strided_slice %select_n3A_142 {offsets = [0], sizes = [1], strides = [1]} : vector<16xi32> to vector<1xi32>
        %squeeze3A_144 = vector.extract %slice3A_143[0] : i32 from vector<1xi32>
        %slice3A_145 = vector.extract_strided_slice %select_n3A_142 {offsets = [1], sizes = [1], strides = [1]} : vector<16xi32> to vector<1xi32>
        %squeeze3A_146 = vector.extract %slice3A_145[0] : i32 from vector<1xi32>
        %slice3A_147 = vector.extract_strided_slice %select_n3A_142 {offsets = [2], sizes = [1], strides = [1]} : vector<16xi32> to vector<1xi32>
        %squeeze3A_148 = vector.extract %slice3A_147[0] : i32 from vector<1xi32>
        %slice3A_149 = vector.extract_strided_slice %select_n3A_142 {offsets = [3], sizes = [1], strides = [1]} : vector<16xi32> to vector<1xi32>
        %squeeze3A_150 = vector.extract %slice3A_149[0] : i32 from vector<1xi32>
        %slice3A_151 = vector.extract_strided_slice %select_n3A_142 {offsets = [4], sizes = [1], strides = [1]} : vector<16xi32> to vector<1xi32>
        %squeeze3A_152 = vector.extract %slice3A_151[0] : i32 from vector<1xi32>
        %slice3A_153 = vector.extract_strided_slice %select_n3A_142 {offsets = [5], sizes = [1], strides = [1]} : vector<16xi32> to vector<1xi32>
        %squeeze3A_154 = vector.extract %slice3A_153[0] : i32 from vector<1xi32>
        %slice3A_155 = vector.extract_strided_slice %select_n3A_142 {offsets = [6], sizes = [1], strides = [1]} : vector<16xi32> to vector<1xi32>
        %squeeze3A_156 = vector.extract %slice3A_155[0] : i32 from vector<1xi32>
        %slice3A_157 = vector.extract_strided_slice %select_n3A_142 {offsets = [7], sizes = [1], strides = [1]} : vector<16xi32> to vector<1xi32>
        %squeeze3A_158 = vector.extract %slice3A_157[0] : i32 from vector<1xi32>
        %slice3A_159 = vector.extract_strided_slice %select_n3A_142 {offsets = [8], sizes = [1], strides = [1]} : vector<16xi32> to vector<1xi32>
        %squeeze3A_160 = vector.extract %slice3A_159[0] : i32 from vector<1xi32>
        %slice3A_161 = vector.extract_strided_slice %select_n3A_142 {offsets = [9], sizes = [1], strides = [1]} : vector<16xi32> to vector<1xi32>
        %squeeze3A_162 = vector.extract %slice3A_161[0] : i32 from vector<1xi32>
        %slice3A_163 = vector.extract_strided_slice %select_n3A_142 {offsets = [10], sizes = [1], strides = [1]} : vector<16xi32> to vector<1xi32>
        %squeeze3A_164 = vector.extract %slice3A_163[0] : i32 from vector<1xi32>
        %slice3A_165 = vector.extract_strided_slice %select_n3A_142 {offsets = [11], sizes = [1], strides = [1]} : vector<16xi32> to vector<1xi32>
        %squeeze3A_166 = vector.extract %slice3A_165[0] : i32 from vector<1xi32>
        %slice3A_167 = vector.extract_strided_slice %select_n3A_142 {offsets = [12], sizes = [1], strides = [1]} : vector<16xi32> to vector<1xi32>
        %squeeze3A_168 = vector.extract %slice3A_167[0] : i32 from vector<1xi32>
        %slice3A_169 = vector.extract_strided_slice %select_n3A_142 {offsets = [13], sizes = [1], strides = [1]} : vector<16xi32> to vector<1xi32>
        %squeeze3A_170 = vector.extract %slice3A_169[0] : i32 from vector<1xi32>
        %slice3A_171 = vector.extract_strided_slice %select_n3A_142 {offsets = [14], sizes = [1], strides = [1]} : vector<16xi32> to vector<1xi32>
        %squeeze3A_172 = vector.extract %slice3A_171[0] : i32 from vector<1xi32>
        %slice3A_173 = vector.extract_strided_slice %select_n3A_142 {offsets = [15], sizes = [1], strides = [1]} : vector<16xi32> to vector<1xi32>
        %squeeze3A_174 = vector.extract %slice3A_173[0] : i32 from vector<1xi32>
        %min3A_175 = arith.minsi %squeeze3A_144, %squeeze3A_146 : i32
        %min3A_176 = arith.minsi %squeeze3A_148, %squeeze3A_150 : i32
        %min3A_177 = arith.minsi %squeeze3A_152, %squeeze3A_154 : i32
        %min3A_178 = arith.minsi %squeeze3A_156, %squeeze3A_158 : i32
        %min3A_179 = arith.minsi %squeeze3A_160, %squeeze3A_162 : i32
        %min3A_180 = arith.minsi %squeeze3A_164, %squeeze3A_166 : i32
        %min3A_181 = arith.minsi %squeeze3A_168, %squeeze3A_170 : i32
        %min3A_182 = arith.minsi %squeeze3A_172, %squeeze3A_174 : i32
        %min3A_183 = arith.minsi %min3A_175, %min3A_176 : i32
        %min3A_184 = arith.minsi %min3A_177, %min3A_178 : i32
        %min3A_185 = arith.minsi %min3A_179, %min3A_180 : i32
        %min3A_186 = arith.minsi %min3A_181, %min3A_182 : i32
        %min3A_187 = arith.minsi %min3A_183, %min3A_184 : i32
        %min3A_188 = arith.minsi %min3A_185, %min3A_186 : i32
        %min3A_189 = arith.minsi %min3A_187, %min3A_188 : i32
        %lt3A = arith.constant 16 : i32
        %lt3A_190 = arith.cmpi slt, %min3A_189, %lt3A : i32
        %mul3A_191 = arith.constant 1000 : i32
        %mul3A_192 = arith.muli %and3A_92, %mul3A_191 : i32
        %mul3A_193 = arith.constant 16 : i32
        %mul3A_194 = arith.muli %scan3A_72, %mul3A_193 : i32
        %add3A_195 = arith.addi %mul3A_192, %mul3A_194 : i32
        %add3A_196 = arith.addi %add3A_195, %min3A_189 : i32
        %jit3A_197 = arith.constant 8000 : i32
        %select_n3A_198 = arith.select %lt3A_190, %add3A_196, %jit3A_197 : i32
        %swap3A = arith.index_cast %get3A_90 : i32 to index
        %swap3A_199 = memref.load %arg9[%swap3A] : memref<256xi32, #tpu.memory_space<smem>>
        memref.store %select_n3A_198, %arg9[%swap3A] : memref<256xi32, #tpu.memory_space<smem>>
        %swap3A_200 = arith.index_cast %while3A_89 : i32 to index
        %swap3A_201 = memref.load %arg8[%swap3A_200] : memref<256xi32, #tpu.memory_space<smem>>
        memref.store %get3A_90, %arg8[%swap3A_200] : memref<256xi32, #tpu.memory_space<smem>>
        %jit3A_202 = arith.constant 0 : i32
        %jit3A_203 = arith.constant 1 : i32
        %select_n3A_204 = arith.select %lt3A_190, %jit3A_202, %jit3A_203 : i32
        %add3A_205 = arith.addi %while3A_89, %select_n3A_204 : i32
        scf.yield %add3A_205 : i32
      }
      scf.yield %while3A_87 : i32
    }
    %scan3A_29 = arith.constant 8 : i32
    %dma_wait3A = arith.constant 0 : i32
    %dma_wait3A_30 = arith.constant 0 : i32
    %dma_wait3A_31 = arith.constant 128 : i32
    %dma_wait3A_32 = tpu.memref_slice %arg5[%dma_wait3A, %dma_wait3A_30, %dma_wait3A_31] : memref<4x8x1008xf32, #tpu.memory_space<vmem>> -> memref<4x8x880xf32, #tpu.memory_space<vmem>>
    %dma_wait3A_33 = arith.constant 0 : i32
    %dma_wait3A_34 = arith.constant 0 : i32
    %dma_wait3A_35 = arith.constant 128 : i32
    %dma_wait3A_36 = tpu.memref_slice %arg2[%dma_wait3A_33, %dma_wait3A_34, %dma_wait3A_35] : memref<4x8x1008xf32, #tpu.memory_space<hbm>> -> memref<4x8x880xf32, #tpu.memory_space<hbm>>
    %dma_wait3A_37 = arith.constant 0 : i32
    %dma_wait3A_38 = arith.constant 0 : i32
    %dma_wait3A_39 = arith.constant 128 : i32
    %dma_wait3A_40 = tpu.memref_slice %arg5[%dma_wait3A_37, %dma_wait3A_38, %dma_wait3A_39] : memref<4x8x1008xf32, #tpu.memory_space<vmem>> -> memref<4x8x880xf32, #tpu.memory_space<vmem>>
    %dma_wait3A_41 = arith.constant 0 : i32
    %dma_wait3A_42 = arith.constant 0 : i32
    %dma_wait3A_43 = arith.constant 128 : i32
    %dma_wait3A_44 = tpu.memref_slice %arg2[%dma_wait3A_41, %dma_wait3A_42, %dma_wait3A_43] : memref<4x8x1008xf32, #tpu.memory_space<hbm>> -> memref<4x8x880xf32, #tpu.memory_space<hbm>>
    tpu.wait_dma2 semaphore(%arg10 : memref<!tpu.dma_semaphore, #tpu.memory_space<semaphore_mem>>) src(%dma_wait3A_44 : memref<4x8x880xf32, #tpu.memory_space<hbm>>) dst(%dma_wait3A_40 : memref<4x8x880xf32, #tpu.memory_space<vmem>>)
    %gt3A = arith.constant 0 : i32
    %gt3A_45 = arith.cmpi sgt, %scan3A_28, %gt3A : i32
    %jit3A = arith.constant 63 : i32
    %jit3A_46 = arith.constant 8 : i32
    %select_n3A = arith.select %gt3A_45, %jit3A, %jit3A_46 : i32
    %while3A = arith.constant 8 : i32
    %while3A_47 = arith.subi %select_n3A, %while3A : i32
    %while3A_48 = arith.addi %while3A, %while3A_47 : i32
    %while3A_49 = arith.constant 1 : i32
    %while3A_50 = arith.divsi %while3A_47, %while3A_49 : i32
    %while3A_51 = arith.muli %while3A_50, %while3A_49 : i32
    %while3A_52 = arith.addi %while3A, %while3A_51 : i32
    %while3A_53 = arith.constant 1 : i32
    %while3A_54 = scf.for %while3A_72 = %while3A to %while3A_52 step %while3A_53 iter_args(%while3A_73 = %scan3A_28) -> (i32)  : i32 {
      %mul3A_74 = arith.constant 16 : i32
      %mul3A_75 = arith.muli %while3A_72, %mul3A_74 : i32
      %while3A_76 = arith.constant 0 : i32
      %while3A_77 = arith.constant 0 : i32
      %while3A_78 = arith.subi %while3A_73, %while3A_76 : i32
      %while3A_79 = arith.addi %while3A_76, %while3A_78 : i32
      %while3A_80 = arith.constant 1 : i32
      %while3A_81 = arith.divsi %while3A_78, %while3A_80 : i32
      %while3A_82 = arith.muli %while3A_81, %while3A_80 : i32
      %while3A_83 = arith.addi %while3A_76, %while3A_82 : i32
      %while3A_84 = arith.constant 1 : i32
      %while3A_85 = scf.for %while3A_88 = %while3A_76 to %while3A_83 step %while3A_84 iter_args(%while3A_89 = %while3A_77) -> (i32)  : i32 {
        %get3A = arith.index_cast %while3A_88 : i32 to index
        %get3A_90 = memref.load %arg8[%get3A] : memref<256xi32, #tpu.memory_space<smem>>
        %shift_right_arithmetic3A = arith.constant 3 : i32
        %shift_right_arithmetic3A_91 = arith.shrsi %get3A_90, %shift_right_arithmetic3A : i32
        %and3A = arith.constant 7 : i32
        %and3A_92 = arith.andi %get3A_90, %and3A : i32
        %get3A_93 = arith.index_cast %shift_right_arithmetic3A_91 : i32 to index
        %get3A_94 = arith.constant 0 : index
        %get3A_95 = tpu.vector_load %arg6[%get3A_93, %get3A_94] {strides = array<i32>} : memref<32x16xf32, #tpu.memory_space<vmem>>, vector<1x16xf32>,
        %get3A_96 = vector.shape_cast %get3A_95 : vector<1x16xf32> to vector<16xf32>
        %slice3A = vector.extract_strided_slice %get3A_96 {offsets = [0], sizes = [1], strides = [1]} : vector<16xf32> to vector<1xf32>
        %squeeze3A = vector.extract %slice3A[0] : f32 from vector<1xf32>
        %broadcast_in_dim3A = vector.broadcast %squeeze3A : f32 to vector<16xf32>
        %slice3A_97 = vector.extract_strided_slice %get3A_96 {offsets = [1], sizes = [1], strides = [1]} : vector<16xf32> to vector<1xf32>
        %squeeze3A_98 = vector.extract %slice3A_97[0] : f32 from vector<1xf32>
        %broadcast_in_dim3A_99 = vector.broadcast %squeeze3A_98 : f32 to vector<16xf32>
        %slice3A_100 = vector.extract_strided_slice %get3A_96 {offsets = [2], sizes = [1], strides = [1]} : vector<16xf32> to vector<1xf32>
        %squeeze3A_101 = vector.extract %slice3A_100[0] : f32 from vector<1xf32>
        %broadcast_in_dim3A_102 = vector.broadcast %squeeze3A_101 : f32 to vector<16xf32>
        %slice3A_103 = vector.extract_strided_slice %get3A_96 {offsets = [3], sizes = [1], strides = [1]} : vector<16xf32> to vector<1xf32>
        %squeeze3A_104 = vector.extract %slice3A_103[0] : f32 from vector<1xf32>
        %broadcast_in_dim3A_105 = vector.broadcast %squeeze3A_104 : f32 to vector<16xf32>
        %get3A_106 = arith.constant 2 : i32
        %get3A_107 = arith.index_cast %get3A_106 : i32 to index
        %get3A_108 = arith.index_cast %and3A_92 : i32 to index
        %get3A_109 = arith.index_cast %mul3A_75 : i32 to index
        %get3A_110 = tpu.vector_load %arg5[%get3A_107, %get3A_108, %get3A_109] {strides = array<i32>} : memref<4x8x1008xf32, #tpu.memory_space<vmem>>, vector<1x1x16xf32>,
        %get3A_111 = vector.shape_cast %get3A_110 : vector<1x1x16xf32> to vector<16xf32>
        %min3A = arith.minimumf %broadcast_in_dim3A_102, %get3A_111 : vector<16xf32>
        %get3A_112 = arith.constant 0 : i32
        %get3A_113 = arith.index_cast %get3A_112 : i32 to index
        %get3A_114 = arith.index_cast %and3A_92 : i32 to index
        %get3A_115 = arith.index_cast %mul3A_75 : i32 to index
        %get3A_116 = tpu.vector_load %arg5[%get3A_113, %get3A_114, %get3A_115] {strides = array<i32>} : memref<4x8x1008xf32, #tpu.memory_space<vmem>>, vector<1x1x16xf32>,
        %get3A_117 = vector.shape_cast %get3A_116 : vector<1x1x16xf32> to vector<16xf32>
        %max3A = arith.maximumf %broadcast_in_dim3A, %get3A_117 : vector<16xf32>
        %sub3A = arith.subf %min3A, %max3A : vector<16xf32>
        %gt3A_118 = arith.constant 0.000000e+00 : f32
        %gt3A_119 = vector.broadcast %gt3A_118 : f32 to vector<16xf32>
        %gt3A_120 = arith.cmpf ogt, %sub3A, %gt3A_119 : vector<16xf32>
        %get3A_121 = arith.constant 3 : i32
        %get3A_122 = arith.index_cast %get3A_121 : i32 to index
        %get3A_123 = arith.index_cast %and3A_92 : i32 to index
        %get3A_124 = arith.index_cast %mul3A_75 : i32 to index
        %get3A_125 = tpu.vector_load %arg5[%get3A_122, %get3A_123, %get3A_124] {strides = array<i32>} : memref<4x8x1008xf32, #tpu.memory_space<vmem>>, vector<1x1x16xf32>,
        %get3A_126 = vector.shape_cast %get3A_125 : vector<1x1x16xf32> to vector<16xf32>
        %min3A_127 = arith.minimumf %broadcast_in_dim3A_105, %get3A_126 : vector<16xf32>
        %get3A_128 = arith.constant 1 : i32
        %get3A_129 = arith.index_cast %get3A_128 : i32 to index
        %get3A_130 = arith.index_cast %and3A_92 : i32 to index
        %get3A_131 = arith.index_cast %mul3A_75 : i32 to index
        %get3A_132 = tpu.vector_load %arg5[%get3A_129, %get3A_130, %get3A_131] {strides = array<i32>} : memref<4x8x1008xf32, #tpu.memory_space<vmem>>, vector<1x1x16xf32>,
        %get3A_133 = vector.shape_cast %get3A_132 : vector<1x1x16xf32> to vector<16xf32>
        %max3A_134 = arith.maximumf %broadcast_in_dim3A_99, %get3A_133 : vector<16xf32>
        %sub3A_135 = arith.subf %min3A_127, %max3A_134 : vector<16xf32>
        %gt3A_136 = arith.constant 0.000000e+00 : f32
        %gt3A_137 = vector.broadcast %gt3A_136 : f32 to vector<16xf32>
        %gt3A_138 = arith.cmpf ogt, %sub3A_135, %gt3A_137 : vector<16xf32>
        %and3A_139 = arith.andi %gt3A_120, %gt3A_138 : vector<16xi1>
        %jit3A_140 = arith.constant 16 : i32
        %broadcast_in_dim3A_141 = vector.broadcast %jit3A_140 : i32 to vector<16xi32>
        %select_n3A_142 = arith.select %and3A_139, %iota3A, %broadcast_in_dim3A_141 : vector<16xi1>, vector<16xi32>
        %slice3A_143 = vector.extract_strided_slice %select_n3A_142 {offsets = [0], sizes = [1], strides = [1]} : vector<16xi32> to vector<1xi32>
        %squeeze3A_144 = vector.extract %slice3A_143[0] : i32 from vector<1xi32>
        %slice3A_145 = vector.extract_strided_slice %select_n3A_142 {offsets = [1], sizes = [1], strides = [1]} : vector<16xi32> to vector<1xi32>
        %squeeze3A_146 = vector.extract %slice3A_145[0] : i32 from vector<1xi32>
        %slice3A_147 = vector.extract_strided_slice %select_n3A_142 {offsets = [2], sizes = [1], strides = [1]} : vector<16xi32> to vector<1xi32>
        %squeeze3A_148 = vector.extract %slice3A_147[0] : i32 from vector<1xi32>
        %slice3A_149 = vector.extract_strided_slice %select_n3A_142 {offsets = [3], sizes = [1], strides = [1]} : vector<16xi32> to vector<1xi32>
        %squeeze3A_150 = vector.extract %slice3A_149[0] : i32 from vector<1xi32>
        %slice3A_151 = vector.extract_strided_slice %select_n3A_142 {offsets = [4], sizes = [1], strides = [1]} : vector<16xi32> to vector<1xi32>
        %squeeze3A_152 = vector.extract %slice3A_151[0] : i32 from vector<1xi32>
        %slice3A_153 = vector.extract_strided_slice %select_n3A_142 {offsets = [5], sizes = [1], strides = [1]} : vector<16xi32> to vector<1xi32>
        %squeeze3A_154 = vector.extract %slice3A_153[0] : i32 from vector<1xi32>
        %slice3A_155 = vector.extract_strided_slice %select_n3A_142 {offsets = [6], sizes = [1], strides = [1]} : vector<16xi32> to vector<1xi32>
        %squeeze3A_156 = vector.extract %slice3A_155[0] : i32 from vector<1xi32>
        %slice3A_157 = vector.extract_strided_slice %select_n3A_142 {offsets = [7], sizes = [1], strides = [1]} : vector<16xi32> to vector<1xi32>
        %squeeze3A_158 = vector.extract %slice3A_157[0] : i32 from vector<1xi32>
        %slice3A_159 = vector.extract_strided_slice %select_n3A_142 {offsets = [8], sizes = [1], strides = [1]} : vector<16xi32> to vector<1xi32>
        %squeeze3A_160 = vector.extract %slice3A_159[0] : i32 from vector<1xi32>
        %slice3A_161 = vector.extract_strided_slice %select_n3A_142 {offsets = [9], sizes = [1], strides = [1]} : vector<16xi32> to vector<1xi32>
        %squeeze3A_162 = vector.extract %slice3A_161[0] : i32 from vector<1xi32>
        %slice3A_163 = vector.extract_strided_slice %select_n3A_142 {offsets = [10], sizes = [1], strides = [1]} : vector<16xi32> to vector<1xi32>
        %squeeze3A_164 = vector.extract %slice3A_163[0] : i32 from vector<1xi32>
        %slice3A_165 = vector.extract_strided_slice %select_n3A_142 {offsets = [11], sizes = [1], strides = [1]} : vector<16xi32> to vector<1xi32>
        %squeeze3A_166 = vector.extract %slice3A_165[0] : i32 from vector<1xi32>
        %slice3A_167 = vector.extract_strided_slice %select_n3A_142 {offsets = [12], sizes = [1], strides = [1]} : vector<16xi32> to vector<1xi32>
        %squeeze3A_168 = vector.extract %slice3A_167[0] : i32 from vector<1xi32>
        %slice3A_169 = vector.extract_strided_slice %select_n3A_142 {offsets = [13], sizes = [1], strides = [1]} : vector<16xi32> to vector<1xi32>
        %squeeze3A_170 = vector.extract %slice3A_169[0] : i32 from vector<1xi32>
        %slice3A_171 = vector.extract_strided_slice %select_n3A_142 {offsets = [14], sizes = [1], strides = [1]} : vector<16xi32> to vector<1xi32>
        %squeeze3A_172 = vector.extract %slice3A_171[0] : i32 from vector<1xi32>
        %slice3A_173 = vector.extract_strided_slice %select_n3A_142 {offsets = [15], sizes = [1], strides = [1]} : vector<16xi32> to vector<1xi32>
        %squeeze3A_174 = vector.extract %slice3A_173[0] : i32 from vector<1xi32>
        %min3A_175 = arith.minsi %squeeze3A_144, %squeeze3A_146 : i32
        %min3A_176 = arith.minsi %squeeze3A_148, %squeeze3A_150 : i32
        %min3A_177 = arith.minsi %squeeze3A_152, %squeeze3A_154 : i32
        %min3A_178 = arith.minsi %squeeze3A_156, %squeeze3A_158 : i32
        %min3A_179 = arith.minsi %squeeze3A_160, %squeeze3A_162 : i32
        %min3A_180 = arith.minsi %squeeze3A_164, %squeeze3A_166 : i32
        %min3A_181 = arith.minsi %squeeze3A_168, %squeeze3A_170 : i32
        %min3A_182 = arith.minsi %squeeze3A_172, %squeeze3A_174 : i32
        %min3A_183 = arith.minsi %min3A_175, %min3A_176 : i32
        %min3A_184 = arith.minsi %min3A_177, %min3A_178 : i32
        %min3A_185 = arith.minsi %min3A_179, %min3A_180 : i32
        %min3A_186 = arith.minsi %min3A_181, %min3A_182 : i32
        %min3A_187 = arith.minsi %min3A_183, %min3A_184 : i32
        %min3A_188 = arith.minsi %min3A_185, %min3A_186 : i32
        %min3A_189 = arith.minsi %min3A_187, %min3A_188 : i32
        %lt3A = arith.constant 16 : i32
        %lt3A_190 = arith.cmpi slt, %min3A_189, %lt3A : i32
        %mul3A_191 = arith.constant 1000 : i32
        %mul3A_192 = arith.muli %and3A_92, %mul3A_191 : i32
        %mul3A_193 = arith.constant 16 : i32
        %mul3A_194 = arith.muli %while3A_72, %mul3A_193 : i32
        %add3A_195 = arith.addi %mul3A_192, %mul3A_194 : i32
        %add3A_196 = arith.addi %add3A_195, %min3A_189 : i32
        %jit3A_197 = arith.constant 8000 : i32
        %select_n3A_198 = arith.select %lt3A_190, %add3A_196, %jit3A_197 : i32
        %swap3A = arith.index_cast %get3A_90 : i32 to index
        %swap3A_199 = memref.load %arg9[%swap3A] : memref<256xi32, #tpu.memory_space<smem>>
        memref.store %select_n3A_198, %arg9[%swap3A] : memref<256xi32, #tpu.memory_space<smem>>
        %swap3A_200 = arith.index_cast %while3A_89 : i32 to index
        %swap3A_201 = memref.load %arg8[%swap3A_200] : memref<256xi32, #tpu.memory_space<smem>>
        memref.store %get3A_90, %arg8[%swap3A_200] : memref<256xi32, #tpu.memory_space<smem>>
        %jit3A_202 = arith.constant 0 : i32
        %jit3A_203 = arith.constant 1 : i32
        %select_n3A_204 = arith.select %lt3A_190, %jit3A_202, %jit3A_203 : i32
        %add3A_205 = arith.addi %while3A_89, %select_n3A_204 : i32
        scf.yield %add3A_205 : i32
      }
      %while3A_86 = arith.constant 1 : i32
      %while3A_87 = scf.for %while3A_88 = %while3A_83 to %while3A_79 step %while3A_86 iter_args(%while3A_89 = %while3A_85) -> (i32)  : i32 {
        %get3A = arith.index_cast %while3A_88 : i32 to index
        %get3A_90 = memref.load %arg8[%get3A] : memref<256xi32, #tpu.memory_space<smem>>
        %shift_right_arithmetic3A = arith.constant 3 : i32
        %shift_right_arithmetic3A_91 = arith.shrsi %get3A_90, %shift_right_arithmetic3A : i32
        %and3A = arith.constant 7 : i32
        %and3A_92 = arith.andi %get3A_90, %and3A : i32
        %get3A_93 = arith.index_cast %shift_right_arithmetic3A_91 : i32 to index
        %get3A_94 = arith.constant 0 : index
        %get3A_95 = tpu.vector_load %arg6[%get3A_93, %get3A_94] {strides = array<i32>} : memref<32x16xf32, #tpu.memory_space<vmem>>, vector<1x16xf32>,
        %get3A_96 = vector.shape_cast %get3A_95 : vector<1x16xf32> to vector<16xf32>
        %slice3A = vector.extract_strided_slice %get3A_96 {offsets = [0], sizes = [1], strides = [1]} : vector<16xf32> to vector<1xf32>
        %squeeze3A = vector.extract %slice3A[0] : f32 from vector<1xf32>
        %broadcast_in_dim3A = vector.broadcast %squeeze3A : f32 to vector<16xf32>
        %slice3A_97 = vector.extract_strided_slice %get3A_96 {offsets = [1], sizes = [1], strides = [1]} : vector<16xf32> to vector<1xf32>
        %squeeze3A_98 = vector.extract %slice3A_97[0] : f32 from vector<1xf32>
        %broadcast_in_dim3A_99 = vector.broadcast %squeeze3A_98 : f32 to vector<16xf32>
        %slice3A_100 = vector.extract_strided_slice %get3A_96 {offsets = [2], sizes = [1], strides = [1]} : vector<16xf32> to vector<1xf32>
        %squeeze3A_101 = vector.extract %slice3A_100[0] : f32 from vector<1xf32>
        %broadcast_in_dim3A_102 = vector.broadcast %squeeze3A_101 : f32 to vector<16xf32>
        %slice3A_103 = vector.extract_strided_slice %get3A_96 {offsets = [3], sizes = [1], strides = [1]} : vector<16xf32> to vector<1xf32>
        %squeeze3A_104 = vector.extract %slice3A_103[0] : f32 from vector<1xf32>
        %broadcast_in_dim3A_105 = vector.broadcast %squeeze3A_104 : f32 to vector<16xf32>
        %get3A_106 = arith.constant 2 : i32
        %get3A_107 = arith.index_cast %get3A_106 : i32 to index
        %get3A_108 = arith.index_cast %and3A_92 : i32 to index
        %get3A_109 = arith.index_cast %mul3A_75 : i32 to index
        %get3A_110 = tpu.vector_load %arg5[%get3A_107, %get3A_108, %get3A_109] {strides = array<i32>} : memref<4x8x1008xf32, #tpu.memory_space<vmem>>, vector<1x1x16xf32>,
        %get3A_111 = vector.shape_cast %get3A_110 : vector<1x1x16xf32> to vector<16xf32>
        %min3A = arith.minimumf %broadcast_in_dim3A_102, %get3A_111 : vector<16xf32>
        %get3A_112 = arith.constant 0 : i32
        %get3A_113 = arith.index_cast %get3A_112 : i32 to index
        %get3A_114 = arith.index_cast %and3A_92 : i32 to index
        %get3A_115 = arith.index_cast %mul3A_75 : i32 to index
        %get3A_116 = tpu.vector_load %arg5[%get3A_113, %get3A_114, %get3A_115] {strides = array<i32>} : memref<4x8x1008xf32, #tpu.memory_space<vmem>>, vector<1x1x16xf32>,
        %get3A_117 = vector.shape_cast %get3A_116 : vector<1x1x16xf32> to vector<16xf32>
        %max3A = arith.maximumf %broadcast_in_dim3A, %get3A_117 : vector<16xf32>
        %sub3A = arith.subf %min3A, %max3A : vector<16xf32>
        %gt3A_118 = arith.constant 0.000000e+00 : f32
        %gt3A_119 = vector.broadcast %gt3A_118 : f32 to vector<16xf32>
        %gt3A_120 = arith.cmpf ogt, %sub3A, %gt3A_119 : vector<16xf32>
        %get3A_121 = arith.constant 3 : i32
        %get3A_122 = arith.index_cast %get3A_121 : i32 to index
        %get3A_123 = arith.index_cast %and3A_92 : i32 to index
        %get3A_124 = arith.index_cast %mul3A_75 : i32 to index
        %get3A_125 = tpu.vector_load %arg5[%get3A_122, %get3A_123, %get3A_124] {strides = array<i32>} : memref<4x8x1008xf32, #tpu.memory_space<vmem>>, vector<1x1x16xf32>,
        %get3A_126 = vector.shape_cast %get3A_125 : vector<1x1x16xf32> to vector<16xf32>
        %min3A_127 = arith.minimumf %broadcast_in_dim3A_105, %get3A_126 : vector<16xf32>
        %get3A_128 = arith.constant 1 : i32
        %get3A_129 = arith.index_cast %get3A_128 : i32 to index
        %get3A_130 = arith.index_cast %and3A_92 : i32 to index
        %get3A_131 = arith.index_cast %mul3A_75 : i32 to index
        %get3A_132 = tpu.vector_load %arg5[%get3A_129, %get3A_130, %get3A_131] {strides = array<i32>} : memref<4x8x1008xf32, #tpu.memory_space<vmem>>, vector<1x1x16xf32>,
        %get3A_133 = vector.shape_cast %get3A_132 : vector<1x1x16xf32> to vector<16xf32>
        %max3A_134 = arith.maximumf %broadcast_in_dim3A_99, %get3A_133 : vector<16xf32>
        %sub3A_135 = arith.subf %min3A_127, %max3A_134 : vector<16xf32>
        %gt3A_136 = arith.constant 0.000000e+00 : f32
        %gt3A_137 = vector.broadcast %gt3A_136 : f32 to vector<16xf32>
        %gt3A_138 = arith.cmpf ogt, %sub3A_135, %gt3A_137 : vector<16xf32>
        %and3A_139 = arith.andi %gt3A_120, %gt3A_138 : vector<16xi1>
        %jit3A_140 = arith.constant 16 : i32
        %broadcast_in_dim3A_141 = vector.broadcast %jit3A_140 : i32 to vector<16xi32>
        %select_n3A_142 = arith.select %and3A_139, %iota3A, %broadcast_in_dim3A_141 : vector<16xi1>, vector<16xi32>
        %slice3A_143 = vector.extract_strided_slice %select_n3A_142 {offsets = [0], sizes = [1], strides = [1]} : vector<16xi32> to vector<1xi32>
        %squeeze3A_144 = vector.extract %slice3A_143[0] : i32 from vector<1xi32>
        %slice3A_145 = vector.extract_strided_slice %select_n3A_142 {offsets = [1], sizes = [1], strides = [1]} : vector<16xi32> to vector<1xi32>
        %squeeze3A_146 = vector.extract %slice3A_145[0] : i32 from vector<1xi32>
        %slice3A_147 = vector.extract_strided_slice %select_n3A_142 {offsets = [2], sizes = [1], strides = [1]} : vector<16xi32> to vector<1xi32>
        %squeeze3A_148 = vector.extract %slice3A_147[0] : i32 from vector<1xi32>
        %slice3A_149 = vector.extract_strided_slice %select_n3A_142 {offsets = [3], sizes = [1], strides = [1]} : vector<16xi32> to vector<1xi32>
        %squeeze3A_150 = vector.extract %slice3A_149[0] : i32 from vector<1xi32>
        %slice3A_151 = vector.extract_strided_slice %select_n3A_142 {offsets = [4], sizes = [1], strides = [1]} : vector<16xi32> to vector<1xi32>
        %squeeze3A_152 = vector.extract %slice3A_151[0] : i32 from vector<1xi32>
        %slice3A_153 = vector.extract_strided_slice %select_n3A_142 {offsets = [5], sizes = [1], strides = [1]} : vector<16xi32> to vector<1xi32>
        %squeeze3A_154 = vector.extract %slice3A_153[0] : i32 from vector<1xi32>
        %slice3A_155 = vector.extract_strided_slice %select_n3A_142 {offsets = [6], sizes = [1], strides = [1]} : vector<16xi32> to vector<1xi32>
        %squeeze3A_156 = vector.extract %slice3A_155[0] : i32 from vector<1xi32>
        %slice3A_157 = vector.extract_strided_slice %select_n3A_142 {offsets = [7], sizes = [1], strides = [1]} : vector<16xi32> to vector<1xi32>
        %squeeze3A_158 = vector.extract %slice3A_157[0] : i32 from vector<1xi32>
        %slice3A_159 = vector.extract_strided_slice %select_n3A_142 {offsets = [8], sizes = [1], strides = [1]} : vector<16xi32> to vector<1xi32>
        %squeeze3A_160 = vector.extract %slice3A_159[0] : i32 from vector<1xi32>
        %slice3A_161 = vector.extract_strided_slice %select_n3A_142 {offsets = [9], sizes = [1], strides = [1]} : vector<16xi32> to vector<1xi32>
        %squeeze3A_162 = vector.extract %slice3A_161[0] : i32 from vector<1xi32>
        %slice3A_163 = vector.extract_strided_slice %select_n3A_142 {offsets = [10], sizes = [1], strides = [1]} : vector<16xi32> to vector<1xi32>
        %squeeze3A_164 = vector.extract %slice3A_163[0] : i32 from vector<1xi32>
        %slice3A_165 = vector.extract_strided_slice %select_n3A_142 {offsets = [11], sizes = [1], strides = [1]} : vector<16xi32> to vector<1xi32>
        %squeeze3A_166 = vector.extract %slice3A_165[0] : i32 from vector<1xi32>
        %slice3A_167 = vector.extract_strided_slice %select_n3A_142 {offsets = [12], sizes = [1], strides = [1]} : vector<16xi32> to vector<1xi32>
        %squeeze3A_168 = vector.extract %slice3A_167[0] : i32 from vector<1xi32>
        %slice3A_169 = vector.extract_strided_slice %select_n3A_142 {offsets = [13], sizes = [1], strides = [1]} : vector<16xi32> to vector<1xi32>
        %squeeze3A_170 = vector.extract %slice3A_169[0] : i32 from vector<1xi32>
        %slice3A_171 = vector.extract_strided_slice %select_n3A_142 {offsets = [14], sizes = [1], strides = [1]} : vector<16xi32> to vector<1xi32>
        %squeeze3A_172 = vector.extract %slice3A_171[0] : i32 from vector<1xi32>
        %slice3A_173 = vector.extract_strided_slice %select_n3A_142 {offsets = [15], sizes = [1], strides = [1]} : vector<16xi32> to vector<1xi32>
        %squeeze3A_174 = vector.extract %slice3A_173[0] : i32 from vector<1xi32>
        %min3A_175 = arith.minsi %squeeze3A_144, %squeeze3A_146 : i32
        %min3A_176 = arith.minsi %squeeze3A_148, %squeeze3A_150 : i32
        %min3A_177 = arith.minsi %squeeze3A_152, %squeeze3A_154 : i32
        %min3A_178 = arith.minsi %squeeze3A_156, %squeeze3A_158 : i32
        %min3A_179 = arith.minsi %squeeze3A_160, %squeeze3A_162 : i32
        %min3A_180 = arith.minsi %squeeze3A_164, %squeeze3A_166 : i32
        %min3A_181 = arith.minsi %squeeze3A_168, %squeeze3A_170 : i32
        %min3A_182 = arith.minsi %squeeze3A_172, %squeeze3A_174 : i32
        %min3A_183 = arith.minsi %min3A_175, %min3A_176 : i32
        %min3A_184 = arith.minsi %min3A_177, %min3A_178 : i32
        %min3A_185 = arith.minsi %min3A_179, %min3A_180 : i32
        %min3A_186 = arith.minsi %min3A_181, %min3A_182 : i32
        %min3A_187 = arith.minsi %min3A_183, %min3A_184 : i32
        %min3A_188 = arith.minsi %min3A_185, %min3A_186 : i32
        %min3A_189 = arith.minsi %min3A_187, %min3A_188 : i32
        %lt3A = arith.constant 16 : i32
        %lt3A_190 = arith.cmpi slt, %min3A_189, %lt3A : i32
        %mul3A_191 = arith.constant 1000 : i32
        %mul3A_192 = arith.muli %and3A_92, %mul3A_191 : i32
        %mul3A_193 = arith.constant 16 : i32
        %mul3A_194 = arith.muli %while3A_72, %mul3A_193 : i32
        %add3A_195 = arith.addi %mul3A_192, %mul3A_194 : i32
        %add3A_196 = arith.addi %add3A_195, %min3A_189 : i32
        %jit3A_197 = arith.constant 8000 : i32
        %select_n3A_198 = arith.select %lt3A_190, %add3A_196, %jit3A_197 : i32
        %swap3A = arith.index_cast %get3A_90 : i32 to index
        %swap3A_199 = memref.load %arg9[%swap3A] : memref<256xi32, #tpu.memory_space<smem>>
        memref.store %select_n3A_198, %arg9[%swap3A] : memref<256xi32, #tpu.memory_space<smem>>
        %swap3A_200 = arith.index_cast %while3A_89 : i32 to index
        %swap3A_201 = memref.load %arg8[%swap3A_200] : memref<256xi32, #tpu.memory_space<smem>>
        memref.store %get3A_90, %arg8[%swap3A_200] : memref<256xi32, #tpu.memory_space<smem>>
        %jit3A_202 = arith.constant 0 : i32
        %jit3A_203 = arith.constant 1 : i32
        %select_n3A_204 = arith.select %lt3A_190, %jit3A_202, %jit3A_203 : i32
        %add3A_205 = arith.addi %while3A_89, %select_n3A_204 : i32
        scf.yield %add3A_205 : i32
      }
      scf.yield %while3A_87 : i32
    }
    %while3A_55 = arith.constant 1 : i32
    %while3A_56 = scf.for %while3A_72 = %while3A_52 to %while3A_48 step %while3A_55 iter_args(%while3A_73 = %while3A_54) -> (i32)  : i32 {
      %mul3A_74 = arith.constant 16 : i32
      %mul3A_75 = arith.muli %while3A_72, %mul3A_74 : i32
      %while3A_76 = arith.constant 0 : i32
      %while3A_77 = arith.constant 0 : i32
      %while3A_78 = arith.subi %while3A_73, %while3A_76 : i32
      %while3A_79 = arith.addi %while3A_76, %while3A_78 : i32
      %while3A_80 = arith.constant 1 : i32
      %while3A_81 = arith.divsi %while3A_78, %while3A_80 : i32
      %while3A_82 = arith.muli %while3A_81, %while3A_80 : i32
      %while3A_83 = arith.addi %while3A_76, %while3A_82 : i32
      %while3A_84 = arith.constant 1 : i32
      %while3A_85 = scf.for %while3A_88 = %while3A_76 to %while3A_83 step %while3A_84 iter_args(%while3A_89 = %while3A_77) -> (i32)  : i32 {
        %get3A = arith.index_cast %while3A_88 : i32 to index
        %get3A_90 = memref.load %arg8[%get3A] : memref<256xi32, #tpu.memory_space<smem>>
        %shift_right_arithmetic3A = arith.constant 3 : i32
        %shift_right_arithmetic3A_91 = arith.shrsi %get3A_90, %shift_right_arithmetic3A : i32
        %and3A = arith.constant 7 : i32
        %and3A_92 = arith.andi %get3A_90, %and3A : i32
        %get3A_93 = arith.index_cast %shift_right_arithmetic3A_91 : i32 to index
        %get3A_94 = arith.constant 0 : index
        %get3A_95 = tpu.vector_load %arg6[%get3A_93, %get3A_94] {strides = array<i32>} : memref<32x16xf32, #tpu.memory_space<vmem>>, vector<1x16xf32>,
        %get3A_96 = vector.shape_cast %get3A_95 : vector<1x16xf32> to vector<16xf32>
        %slice3A = vector.extract_strided_slice %get3A_96 {offsets = [0], sizes = [1], strides = [1]} : vector<16xf32> to vector<1xf32>
        %squeeze3A = vector.extract %slice3A[0] : f32 from vector<1xf32>
        %broadcast_in_dim3A = vector.broadcast %squeeze3A : f32 to vector<16xf32>
        %slice3A_97 = vector.extract_strided_slice %get3A_96 {offsets = [1], sizes = [1], strides = [1]} : vector<16xf32> to vector<1xf32>
        %squeeze3A_98 = vector.extract %slice3A_97[0] : f32 from vector<1xf32>
        %broadcast_in_dim3A_99 = vector.broadcast %squeeze3A_98 : f32 to vector<16xf32>
        %slice3A_100 = vector.extract_strided_slice %get3A_96 {offsets = [2], sizes = [1], strides = [1]} : vector<16xf32> to vector<1xf32>
        %squeeze3A_101 = vector.extract %slice3A_100[0] : f32 from vector<1xf32>
        %broadcast_in_dim3A_102 = vector.broadcast %squeeze3A_101 : f32 to vector<16xf32>
        %slice3A_103 = vector.extract_strided_slice %get3A_96 {offsets = [3], sizes = [1], strides = [1]} : vector<16xf32> to vector<1xf32>
        %squeeze3A_104 = vector.extract %slice3A_103[0] : f32 from vector<1xf32>
        %broadcast_in_dim3A_105 = vector.broadcast %squeeze3A_104 : f32 to vector<16xf32>
        %get3A_106 = arith.constant 2 : i32
        %get3A_107 = arith.index_cast %get3A_106 : i32 to index
        %get3A_108 = arith.index_cast %and3A_92 : i32 to index
        %get3A_109 = arith.index_cast %mul3A_75 : i32 to index
        %get3A_110 = tpu.vector_load %arg5[%get3A_107, %get3A_108, %get3A_109] {strides = array<i32>} : memref<4x8x1008xf32, #tpu.memory_space<vmem>>, vector<1x1x16xf32>,
        %get3A_111 = vector.shape_cast %get3A_110 : vector<1x1x16xf32> to vector<16xf32>
        %min3A = arith.minimumf %broadcast_in_dim3A_102, %get3A_111 : vector<16xf32>
        %get3A_112 = arith.constant 0 : i32
        %get3A_113 = arith.index_cast %get3A_112 : i32 to index
        %get3A_114 = arith.index_cast %and3A_92 : i32 to index
        %get3A_115 = arith.index_cast %mul3A_75 : i32 to index
        %get3A_116 = tpu.vector_load %arg5[%get3A_113, %get3A_114, %get3A_115] {strides = array<i32>} : memref<4x8x1008xf32, #tpu.memory_space<vmem>>, vector<1x1x16xf32>,
        %get3A_117 = vector.shape_cast %get3A_116 : vector<1x1x16xf32> to vector<16xf32>
        %max3A = arith.maximumf %broadcast_in_dim3A, %get3A_117 : vector<16xf32>
        %sub3A = arith.subf %min3A, %max3A : vector<16xf32>
        %gt3A_118 = arith.constant 0.000000e+00 : f32
        %gt3A_119 = vector.broadcast %gt3A_118 : f32 to vector<16xf32>
        %gt3A_120 = arith.cmpf ogt, %sub3A, %gt3A_119 : vector<16xf32>
        %get3A_121 = arith.constant 3 : i32
        %get3A_122 = arith.index_cast %get3A_121 : i32 to index
        %get3A_123 = arith.index_cast %and3A_92 : i32 to index
        %get3A_124 = arith.index_cast %mul3A_75 : i32 to index
        %get3A_125 = tpu.vector_load %arg5[%get3A_122, %get3A_123, %get3A_124] {strides = array<i32>} : memref<4x8x1008xf32, #tpu.memory_space<vmem>>, vector<1x1x16xf32>,
        %get3A_126 = vector.shape_cast %get3A_125 : vector<1x1x16xf32> to vector<16xf32>
        %min3A_127 = arith.minimumf %broadcast_in_dim3A_105, %get3A_126 : vector<16xf32>
        %get3A_128 = arith.constant 1 : i32
        %get3A_129 = arith.index_cast %get3A_128 : i32 to index
        %get3A_130 = arith.index_cast %and3A_92 : i32 to index
        %get3A_131 = arith.index_cast %mul3A_75 : i32 to index
        %get3A_132 = tpu.vector_load %arg5[%get3A_129, %get3A_130, %get3A_131] {strides = array<i32>} : memref<4x8x1008xf32, #tpu.memory_space<vmem>>, vector<1x1x16xf32>,
        %get3A_133 = vector.shape_cast %get3A_132 : vector<1x1x16xf32> to vector<16xf32>
        %max3A_134 = arith.maximumf %broadcast_in_dim3A_99, %get3A_133 : vector<16xf32>
        %sub3A_135 = arith.subf %min3A_127, %max3A_134 : vector<16xf32>
        %gt3A_136 = arith.constant 0.000000e+00 : f32
        %gt3A_137 = vector.broadcast %gt3A_136 : f32 to vector<16xf32>
        %gt3A_138 = arith.cmpf ogt, %sub3A_135, %gt3A_137 : vector<16xf32>
        %and3A_139 = arith.andi %gt3A_120, %gt3A_138 : vector<16xi1>
        %jit3A_140 = arith.constant 16 : i32
        %broadcast_in_dim3A_141 = vector.broadcast %jit3A_140 : i32 to vector<16xi32>
        %select_n3A_142 = arith.select %and3A_139, %iota3A, %broadcast_in_dim3A_141 : vector<16xi1>, vector<16xi32>
        %slice3A_143 = vector.extract_strided_slice %select_n3A_142 {offsets = [0], sizes = [1], strides = [1]} : vector<16xi32> to vector<1xi32>
        %squeeze3A_144 = vector.extract %slice3A_143[0] : i32 from vector<1xi32>
        %slice3A_145 = vector.extract_strided_slice %select_n3A_142 {offsets = [1], sizes = [1], strides = [1]} : vector<16xi32> to vector<1xi32>
        %squeeze3A_146 = vector.extract %slice3A_145[0] : i32 from vector<1xi32>
        %slice3A_147 = vector.extract_strided_slice %select_n3A_142 {offsets = [2], sizes = [1], strides = [1]} : vector<16xi32> to vector<1xi32>
        %squeeze3A_148 = vector.extract %slice3A_147[0] : i32 from vector<1xi32>
        %slice3A_149 = vector.extract_strided_slice %select_n3A_142 {offsets = [3], sizes = [1], strides = [1]} : vector<16xi32> to vector<1xi32>
        %squeeze3A_150 = vector.extract %slice3A_149[0] : i32 from vector<1xi32>
        %slice3A_151 = vector.extract_strided_slice %select_n3A_142 {offsets = [4], sizes = [1], strides = [1]} : vector<16xi32> to vector<1xi32>
        %squeeze3A_152 = vector.extract %slice3A_151[0] : i32 from vector<1xi32>
        %slice3A_153 = vector.extract_strided_slice %select_n3A_142 {offsets = [5], sizes = [1], strides = [1]} : vector<16xi32> to vector<1xi32>
        %squeeze3A_154 = vector.extract %slice3A_153[0] : i32 from vector<1xi32>
        %slice3A_155 = vector.extract_strided_slice %select_n3A_142 {offsets = [6], sizes = [1], strides = [1]} : vector<16xi32> to vector<1xi32>
        %squeeze3A_156 = vector.extract %slice3A_155[0] : i32 from vector<1xi32>
        %slice3A_157 = vector.extract_strided_slice %select_n3A_142 {offsets = [7], sizes = [1], strides = [1]} : vector<16xi32> to vector<1xi32>
        %squeeze3A_158 = vector.extract %slice3A_157[0] : i32 from vector<1xi32>
        %slice3A_159 = vector.extract_strided_slice %select_n3A_142 {offsets = [8], sizes = [1], strides = [1]} : vector<16xi32> to vector<1xi32>
        %squeeze3A_160 = vector.extract %slice3A_159[0] : i32 from vector<1xi32>
        %slice3A_161 = vector.extract_strided_slice %select_n3A_142 {offsets = [9], sizes = [1], strides = [1]} : vector<16xi32> to vector<1xi32>
        %squeeze3A_162 = vector.extract %slice3A_161[0] : i32 from vector<1xi32>
        %slice3A_163 = vector.extract_strided_slice %select_n3A_142 {offsets = [10], sizes = [1], strides = [1]} : vector<16xi32> to vector<1xi32>
        %squeeze3A_164 = vector.extract %slice3A_163[0] : i32 from vector<1xi32>
        %slice3A_165 = vector.extract_strided_slice %select_n3A_142 {offsets = [11], sizes = [1], strides = [1]} : vector<16xi32> to vector<1xi32>
        %squeeze3A_166 = vector.extract %slice3A_165[0] : i32 from vector<1xi32>
        %slice3A_167 = vector.extract_strided_slice %select_n3A_142 {offsets = [12], sizes = [1], strides = [1]} : vector<16xi32> to vector<1xi32>
        %squeeze3A_168 = vector.extract %slice3A_167[0] : i32 from vector<1xi32>
        %slice3A_169 = vector.extract_strided_slice %select_n3A_142 {offsets = [13], sizes = [1], strides = [1]} : vector<16xi32> to vector<1xi32>
        %squeeze3A_170 = vector.extract %slice3A_169[0] : i32 from vector<1xi32>
        %slice3A_171 = vector.extract_strided_slice %select_n3A_142 {offsets = [14], sizes = [1], strides = [1]} : vector<16xi32> to vector<1xi32>
        %squeeze3A_172 = vector.extract %slice3A_171[0] : i32 from vector<1xi32>
        %slice3A_173 = vector.extract_strided_slice %select_n3A_142 {offsets = [15], sizes = [1], strides = [1]} : vector<16xi32> to vector<1xi32>
        %squeeze3A_174 = vector.extract %slice3A_173[0] : i32 from vector<1xi32>
        %min3A_175 = arith.minsi %squeeze3A_144, %squeeze3A_146 : i32
        %min3A_176 = arith.minsi %squeeze3A_148, %squeeze3A_150 : i32
        %min3A_177 = arith.minsi %squeeze3A_152, %squeeze3A_154 : i32
        %min3A_178 = arith.minsi %squeeze3A_156, %squeeze3A_158 : i32
        %min3A_179 = arith.minsi %squeeze3A_160, %squeeze3A_162 : i32
        %min3A_180 = arith.minsi %squeeze3A_164, %squeeze3A_166 : i32
        %min3A_181 = arith.minsi %squeeze3A_168, %squeeze3A_170 : i32
        %min3A_182 = arith.minsi %squeeze3A_172, %squeeze3A_174 : i32
        %min3A_183 = arith.minsi %min3A_175, %min3A_176 : i32
        %min3A_184 = arith.minsi %min3A_177, %min3A_178 : i32
        %min3A_185 = arith.minsi %min3A_179, %min3A_180 : i32
        %min3A_186 = arith.minsi %min3A_181, %min3A_182 : i32
        %min3A_187 = arith.minsi %min3A_183, %min3A_184 : i32
        %min3A_188 = arith.minsi %min3A_185, %min3A_186 : i32
        %min3A_189 = arith.minsi %min3A_187, %min3A_188 : i32
        %lt3A = arith.constant 16 : i32
        %lt3A_190 = arith.cmpi slt, %min3A_189, %lt3A : i32
        %mul3A_191 = arith.constant 1000 : i32
        %mul3A_192 = arith.muli %and3A_92, %mul3A_191 : i32
        %mul3A_193 = arith.constant 16 : i32
        %mul3A_194 = arith.muli %while3A_72, %mul3A_193 : i32
        %add3A_195 = arith.addi %mul3A_192, %mul3A_194 : i32
        %add3A_196 = arith.addi %add3A_195, %min3A_189 : i32
        %jit3A_197 = arith.constant 8000 : i32
        %select_n3A_198 = arith.select %lt3A_190, %add3A_196, %jit3A_197 : i32
        %swap3A = arith.index_cast %get3A_90 : i32 to index
        %swap3A_199 = memref.load %arg9[%swap3A] : memref<256xi32, #tpu.memory_space<smem>>
        memref.store %select_n3A_198, %arg9[%swap3A] : memref<256xi32, #tpu.memory_space<smem>>
        %swap3A_200 = arith.index_cast %while3A_89 : i32 to index
        %swap3A_201 = memref.load %arg8[%swap3A_200] : memref<256xi32, #tpu.memory_space<smem>>
        memref.store %get3A_90, %arg8[%swap3A_200] : memref<256xi32, #tpu.memory_space<smem>>
        %jit3A_202 = arith.constant 0 : i32
        %jit3A_203 = arith.constant 1 : i32
        %select_n3A_204 = arith.select %lt3A_190, %jit3A_202, %jit3A_203 : i32
        %add3A_205 = arith.addi %while3A_89, %select_n3A_204 : i32
        scf.yield %add3A_205 : i32
      }
      %while3A_86 = arith.constant 1 : i32
      %while3A_87 = scf.for %while3A_88 = %while3A_83 to %while3A_79 step %while3A_86 iter_args(%while3A_89 = %while3A_85) -> (i32)  : i32 {
        %get3A = arith.index_cast %while3A_88 : i32 to index
        %get3A_90 = memref.load %arg8[%get3A] : memref<256xi32, #tpu.memory_space<smem>>
        %shift_right_arithmetic3A = arith.constant 3 : i32
        %shift_right_arithmetic3A_91 = arith.shrsi %get3A_90, %shift_right_arithmetic3A : i32
        %and3A = arith.constant 7 : i32
        %and3A_92 = arith.andi %get3A_90, %and3A : i32
        %get3A_93 = arith.index_cast %shift_right_arithmetic3A_91 : i32 to index
        %get3A_94 = arith.constant 0 : index
        %get3A_95 = tpu.vector_load %arg6[%get3A_93, %get3A_94] {strides = array<i32>} : memref<32x16xf32, #tpu.memory_space<vmem>>, vector<1x16xf32>,
        %get3A_96 = vector.shape_cast %get3A_95 : vector<1x16xf32> to vector<16xf32>
        %slice3A = vector.extract_strided_slice %get3A_96 {offsets = [0], sizes = [1], strides = [1]} : vector<16xf32> to vector<1xf32>
        %squeeze3A = vector.extract %slice3A[0] : f32 from vector<1xf32>
        %broadcast_in_dim3A = vector.broadcast %squeeze3A : f32 to vector<16xf32>
        %slice3A_97 = vector.extract_strided_slice %get3A_96 {offsets = [1], sizes = [1], strides = [1]} : vector<16xf32> to vector<1xf32>
        %squeeze3A_98 = vector.extract %slice3A_97[0] : f32 from vector<1xf32>
        %broadcast_in_dim3A_99 = vector.broadcast %squeeze3A_98 : f32 to vector<16xf32>
        %slice3A_100 = vector.extract_strided_slice %get3A_96 {offsets = [2], sizes = [1], strides = [1]} : vector<16xf32> to vector<1xf32>
        %squeeze3A_101 = vector.extract %slice3A_100[0] : f32 from vector<1xf32>
        %broadcast_in_dim3A_102 = vector.broadcast %squeeze3A_101 : f32 to vector<16xf32>
        %slice3A_103 = vector.extract_strided_slice %get3A_96 {offsets = [3], sizes = [1], strides = [1]} : vector<16xf32> to vector<1xf32>
        %squeeze3A_104 = vector.extract %slice3A_103[0] : f32 from vector<1xf32>
        %broadcast_in_dim3A_105 = vector.broadcast %squeeze3A_104 : f32 to vector<16xf32>
        %get3A_106 = arith.constant 2 : i32
        %get3A_107 = arith.index_cast %get3A_106 : i32 to index
        %get3A_108 = arith.index_cast %and3A_92 : i32 to index
        %get3A_109 = arith.index_cast %mul3A_75 : i32 to index
        %get3A_110 = tpu.vector_load %arg5[%get3A_107, %get3A_108, %get3A_109] {strides = array<i32>} : memref<4x8x1008xf32, #tpu.memory_space<vmem>>, vector<1x1x16xf32>,
        %get3A_111 = vector.shape_cast %get3A_110 : vector<1x1x16xf32> to vector<16xf32>
        %min3A = arith.minimumf %broadcast_in_dim3A_102, %get3A_111 : vector<16xf32>
        %get3A_112 = arith.constant 0 : i32
        %get3A_113 = arith.index_cast %get3A_112 : i32 to index
        %get3A_114 = arith.index_cast %and3A_92 : i32 to index
        %get3A_115 = arith.index_cast %mul3A_75 : i32 to index
        %get3A_116 = tpu.vector_load %arg5[%get3A_113, %get3A_114, %get3A_115] {strides = array<i32>} : memref<4x8x1008xf32, #tpu.memory_space<vmem>>, vector<1x1x16xf32>,
        %get3A_117 = vector.shape_cast %get3A_116 : vector<1x1x16xf32> to vector<16xf32>
        %max3A = arith.maximumf %broadcast_in_dim3A, %get3A_117 : vector<16xf32>
        %sub3A = arith.subf %min3A, %max3A : vector<16xf32>
        %gt3A_118 = arith.constant 0.000000e+00 : f32
        %gt3A_119 = vector.broadcast %gt3A_118 : f32 to vector<16xf32>
        %gt3A_120 = arith.cmpf ogt, %sub3A, %gt3A_119 : vector<16xf32>
        %get3A_121 = arith.constant 3 : i32
        %get3A_122 = arith.index_cast %get3A_121 : i32 to index
        %get3A_123 = arith.index_cast %and3A_92 : i32 to index
        %get3A_124 = arith.index_cast %mul3A_75 : i32 to index
        %get3A_125 = tpu.vector_load %arg5[%get3A_122, %get3A_123, %get3A_124] {strides = array<i32>} : memref<4x8x1008xf32, #tpu.memory_space<vmem>>, vector<1x1x16xf32>,
        %get3A_126 = vector.shape_cast %get3A_125 : vector<1x1x16xf32> to vector<16xf32>
        %min3A_127 = arith.minimumf %broadcast_in_dim3A_105, %get3A_126 : vector<16xf32>
        %get3A_128 = arith.constant 1 : i32
        %get3A_129 = arith.index_cast %get3A_128 : i32 to index
        %get3A_130 = arith.index_cast %and3A_92 : i32 to index
        %get3A_131 = arith.index_cast %mul3A_75 : i32 to index
        %get3A_132 = tpu.vector_load %arg5[%get3A_129, %get3A_130, %get3A_131] {strides = array<i32>} : memref<4x8x1008xf32, #tpu.memory_space<vmem>>, vector<1x1x16xf32>,
        %get3A_133 = vector.shape_cast %get3A_132 : vector<1x1x16xf32> to vector<16xf32>
        %max3A_134 = arith.maximumf %broadcast_in_dim3A_99, %get3A_133 : vector<16xf32>
        %sub3A_135 = arith.subf %min3A_127, %max3A_134 : vector<16xf32>
        %gt3A_136 = arith.constant 0.000000e+00 : f32
        %gt3A_137 = vector.broadcast %gt3A_136 : f32 to vector<16xf32>
        %gt3A_138 = arith.cmpf ogt, %sub3A_135, %gt3A_137 : vector<16xf32>
        %and3A_139 = arith.andi %gt3A_120, %gt3A_138 : vector<16xi1>
        %jit3A_140 = arith.constant 16 : i32
        %broadcast_in_dim3A_141 = vector.broadcast %jit3A_140 : i32 to vector<16xi32>
        %select_n3A_142 = arith.select %and3A_139, %iota3A, %broadcast_in_dim3A_141 : vector<16xi1>, vector<16xi32>
        %slice3A_143 = vector.extract_strided_slice %select_n3A_142 {offsets = [0], sizes = [1], strides = [1]} : vector<16xi32> to vector<1xi32>
        %squeeze3A_144 = vector.extract %slice3A_143[0] : i32 from vector<1xi32>
        %slice3A_145 = vector.extract_strided_slice %select_n3A_142 {offsets = [1], sizes = [1], strides = [1]} : vector<16xi32> to vector<1xi32>
        %squeeze3A_146 = vector.extract %slice3A_145[0] : i32 from vector<1xi32>
        %slice3A_147 = vector.extract_strided_slice %select_n3A_142 {offsets = [2], sizes = [1], strides = [1]} : vector<16xi32> to vector<1xi32>
        %squeeze3A_148 = vector.extract %slice3A_147[0] : i32 from vector<1xi32>
        %slice3A_149 = vector.extract_strided_slice %select_n3A_142 {offsets = [3], sizes = [1], strides = [1]} : vector<16xi32> to vector<1xi32>
        %squeeze3A_150 = vector.extract %slice3A_149[0] : i32 from vector<1xi32>
        %slice3A_151 = vector.extract_strided_slice %select_n3A_142 {offsets = [4], sizes = [1], strides = [1]} : vector<16xi32> to vector<1xi32>
        %squeeze3A_152 = vector.extract %slice3A_151[0] : i32 from vector<1xi32>
        %slice3A_153 = vector.extract_strided_slice %select_n3A_142 {offsets = [5], sizes = [1], strides = [1]} : vector<16xi32> to vector<1xi32>
        %squeeze3A_154 = vector.extract %slice3A_153[0] : i32 from vector<1xi32>
        %slice3A_155 = vector.extract_strided_slice %select_n3A_142 {offsets = [6], sizes = [1], strides = [1]} : vector<16xi32> to vector<1xi32>
        %squeeze3A_156 = vector.extract %slice3A_155[0] : i32 from vector<1xi32>
        %slice3A_157 = vector.extract_strided_slice %select_n3A_142 {offsets = [7], sizes = [1], strides = [1]} : vector<16xi32> to vector<1xi32>
        %squeeze3A_158 = vector.extract %slice3A_157[0] : i32 from vector<1xi32>
        %slice3A_159 = vector.extract_strided_slice %select_n3A_142 {offsets = [8], sizes = [1], strides = [1]} : vector<16xi32> to vector<1xi32>
        %squeeze3A_160 = vector.extract %slice3A_159[0] : i32 from vector<1xi32>
        %slice3A_161 = vector.extract_strided_slice %select_n3A_142 {offsets = [9], sizes = [1], strides = [1]} : vector<16xi32> to vector<1xi32>
        %squeeze3A_162 = vector.extract %slice3A_161[0] : i32 from vector<1xi32>
        %slice3A_163 = vector.extract_strided_slice %select_n3A_142 {offsets = [10], sizes = [1], strides = [1]} : vector<16xi32> to vector<1xi32>
        %squeeze3A_164 = vector.extract %slice3A_163[0] : i32 from vector<1xi32>
        %slice3A_165 = vector.extract_strided_slice %select_n3A_142 {offsets = [11], sizes = [1], strides = [1]} : vector<16xi32> to vector<1xi32>
        %squeeze3A_166 = vector.extract %slice3A_165[0] : i32 from vector<1xi32>
        %slice3A_167 = vector.extract_strided_slice %select_n3A_142 {offsets = [12], sizes = [1], strides = [1]} : vector<16xi32> to vector<1xi32>
        %squeeze3A_168 = vector.extract %slice3A_167[0] : i32 from vector<1xi32>
        %slice3A_169 = vector.extract_strided_slice %select_n3A_142 {offsets = [13], sizes = [1], strides = [1]} : vector<16xi32> to vector<1xi32>
        %squeeze3A_170 = vector.extract %slice3A_169[0] : i32 from vector<1xi32>
        %slice3A_171 = vector.extract_strided_slice %select_n3A_142 {offsets = [14], sizes = [1], strides = [1]} : vector<16xi32> to vector<1xi32>
        %squeeze3A_172 = vector.extract %slice3A_171[0] : i32 from vector<1xi32>
        %slice3A_173 = vector.extract_strided_slice %select_n3A_142 {offsets = [15], sizes = [1], strides = [1]} : vector<16xi32> to vector<1xi32>
        %squeeze3A_174 = vector.extract %slice3A_173[0] : i32 from vector<1xi32>
        %min3A_175 = arith.minsi %squeeze3A_144, %squeeze3A_146 : i32
        %min3A_176 = arith.minsi %squeeze3A_148, %squeeze3A_150 : i32
        %min3A_177 = arith.minsi %squeeze3A_152, %squeeze3A_154 : i32
        %min3A_178 = arith.minsi %squeeze3A_156, %squeeze3A_158 : i32
        %min3A_179 = arith.minsi %squeeze3A_160, %squeeze3A_162 : i32
        %min3A_180 = arith.minsi %squeeze3A_164, %squeeze3A_166 : i32
        %min3A_181 = arith.minsi %squeeze3A_168, %squeeze3A_170 : i32
        %min3A_182 = arith.minsi %squeeze3A_172, %squeeze3A_174 : i32
        %min3A_183 = arith.minsi %min3A_175, %min3A_176 : i32
        %min3A_184 = arith.minsi %min3A_177, %min3A_178 : i32
        %min3A_185 = arith.minsi %min3A_179, %min3A_180 : i32
        %min3A_186 = arith.minsi %min3A_181, %min3A_182 : i32
        %min3A_187 = arith.minsi %min3A_183, %min3A_184 : i32
        %min3A_188 = arith.minsi %min3A_185, %min3A_186 : i32
        %min3A_189 = arith.minsi %min3A_187, %min3A_188 : i32
        %lt3A = arith.constant 16 : i32
        %lt3A_190 = arith.cmpi slt, %min3A_189, %lt3A : i32
        %mul3A_191 = arith.constant 1000 : i32
        %mul3A_192 = arith.muli %and3A_92, %mul3A_191 : i32
        %mul3A_193 = arith.constant 16 : i32
        %mul3A_194 = arith.muli %while3A_72, %mul3A_193 : i32
        %add3A_195 = arith.addi %mul3A_192, %mul3A_194 : i32
        %add3A_196 = arith.addi %add3A_195, %min3A_189 : i32
        %jit3A_197 = arith.constant 8000 : i32
        %select_n3A_198 = arith.select %lt3A_190, %add3A_196, %jit3A_197 : i32
        %swap3A = arith.index_cast %get3A_90 : i32 to index
        %swap3A_199 = memref.load %arg9[%swap3A] : memref<256xi32, #tpu.memory_space<smem>>
        memref.store %select_n3A_198, %arg9[%swap3A] : memref<256xi32, #tpu.memory_space<smem>>
        %swap3A_200 = arith.index_cast %while3A_89 : i32 to index
        %swap3A_201 = memref.load %arg8[%swap3A_200] : memref<256xi32, #tpu.memory_space<smem>>
        memref.store %get3A_90, %arg8[%swap3A_200] : memref<256xi32, #tpu.memory_space<smem>>
        %jit3A_202 = arith.constant 0 : i32
        %jit3A_203 = arith.constant 1 : i32
        %select_n3A_204 = arith.select %lt3A_190, %jit3A_202, %jit3A_203 : i32
        %add3A_205 = arith.addi %while3A_89, %select_n3A_204 : i32
        scf.yield %add3A_205 : i32
      }
      scf.yield %while3A_87 : i32
    }
    "tpu.trace_stop"() : () -> ()
    "tpu.trace_start"() <{level = 10 : i32, message = "idx_build"}> : () -> ()
    %scan3A_57 = arith.constant 0 : i32
    %scan3A_58 = arith.constant 0 : i32
    %scan3A_59 = arith.constant 16 : i32
    %scan3A_60 = arith.addi %scan3A_58, %scan3A_59 : i32
    %scan3A_61 = arith.constant 1 : i32
    scf.for %scan3A_72 = %scan3A_58 to %scan3A_60 step %scan3A_61  : i32 {
      %broadcast_in_dim3A = arith.constant 8000 : i32
      %broadcast_in_dim3A_73 = vector.broadcast %broadcast_in_dim3A : i32 to vector<16xi32>
      %eq3A = arith.constant 0 : i32
      %eq3A_74 = vector.broadcast %eq3A : i32 to vector<16xi32>
      %eq3A_75 = arith.cmpi eq, %iota3A, %eq3A_74 : vector<16xi32>
      %mul3A_76 = arith.constant 16 : i32
      %mul3A_77 = arith.muli %scan3A_72, %mul3A_76 : i32
      %add3A_78 = arith.constant 0 : i32
      %add3A_79 = arith.addi %mul3A_77, %add3A_78 : i32
      %get3A = arith.index_cast %add3A_79 : i32 to index
      %get3A_80 = memref.load %arg9[%get3A] : memref<256xi32, #tpu.memory_space<smem>>
      %broadcast_in_dim3A_81 = vector.broadcast %get3A_80 : i32 to vector<16xi32>
      %select_n3A_82 = arith.select %eq3A_75, %broadcast_in_dim3A_81, %broadcast_in_dim3A_73 : vector<16xi1>, vector<16xi32>
      %eq3A_83 = arith.constant 1 : i32
      %eq3A_84 = vector.broadcast %eq3A_83 : i32 to vector<16xi32>
      %eq3A_85 = arith.cmpi eq, %iota3A, %eq3A_84 : vector<16xi32>
      %mul3A_86 = arith.constant 16 : i32
      %mul3A_87 = arith.muli %scan3A_72, %mul3A_86 : i32
      %add3A_88 = arith.constant 1 : i32
      %add3A_89 = arith.addi %mul3A_87, %add3A_88 : i32
      %get3A_90 = arith.index_cast %add3A_89 : i32 to index
      %get3A_91 = memref.load %arg9[%get3A_90] : memref<256xi32, #tpu.memory_space<smem>>
      %broadcast_in_dim3A_92 = vector.broadcast %get3A_91 : i32 to vector<16xi32>
      %select_n3A_93 = arith.select %eq3A_85, %broadcast_in_dim3A_92, %select_n3A_82 : vector<16xi1>, vector<16xi32>
      %eq3A_94 = arith.constant 2 : i32
      %eq3A_95 = vector.broadcast %eq3A_94 : i32 to vector<16xi32>
      %eq3A_96 = arith.cmpi eq, %iota3A, %eq3A_95 : vector<16xi32>
      %mul3A_97 = arith.constant 16 : i32
      %mul3A_98 = arith.muli %scan3A_72, %mul3A_97 : i32
      %add3A_99 = arith.constant 2 : i32
      %add3A_100 = arith.addi %mul3A_98, %add3A_99 : i32
      %get3A_101 = arith.index_cast %add3A_100 : i32 to index
      %get3A_102 = memref.load %arg9[%get3A_101] : memref<256xi32, #tpu.memory_space<smem>>
      %broadcast_in_dim3A_103 = vector.broadcast %get3A_102 : i32 to vector<16xi32>
      %select_n3A_104 = arith.select %eq3A_96, %broadcast_in_dim3A_103, %select_n3A_93 : vector<16xi1>, vector<16xi32>
      %eq3A_105 = arith.constant 3 : i32
      %eq3A_106 = vector.broadcast %eq3A_105 : i32 to vector<16xi32>
      %eq3A_107 = arith.cmpi eq, %iota3A, %eq3A_106 : vector<16xi32>
      %mul3A_108 = arith.constant 16 : i32
      %mul3A_109 = arith.muli %scan3A_72, %mul3A_108 : i32
      %add3A_110 = arith.constant 3 : i32
      %add3A_111 = arith.addi %mul3A_109, %add3A_110 : i32
      %get3A_112 = arith.index_cast %add3A_111 : i32 to index
      %get3A_113 = memref.load %arg9[%get3A_112] : memref<256xi32, #tpu.memory_space<smem>>
      %broadcast_in_dim3A_114 = vector.broadcast %get3A_113 : i32 to vector<16xi32>
      %select_n3A_115 = arith.select %eq3A_107, %broadcast_in_dim3A_114, %select_n3A_104 : vector<16xi1>, vector<16xi32>
      %eq3A_116 = arith.constant 4 : i32
      %eq3A_117 = vector.broadcast %eq3A_116 : i32 to vector<16xi32>
      %eq3A_118 = arith.cmpi eq, %iota3A, %eq3A_117 : vector<16xi32>
      %mul3A_119 = arith.constant 16 : i32
      %mul3A_120 = arith.muli %scan3A_72, %mul3A_119 : i32
      %add3A_121 = arith.constant 4 : i32
      %add3A_122 = arith.addi %mul3A_120, %add3A_121 : i32
      %get3A_123 = arith.index_cast %add3A_122 : i32 to index
      %get3A_124 = memref.load %arg9[%get3A_123] : memref<256xi32, #tpu.memory_space<smem>>
      %broadcast_in_dim3A_125 = vector.broadcast %get3A_124 : i32 to vector<16xi32>
      %select_n3A_126 = arith.select %eq3A_118, %broadcast_in_dim3A_125, %select_n3A_115 : vector<16xi1>, vector<16xi32>
      %eq3A_127 = arith.constant 5 : i32
      %eq3A_128 = vector.broadcast %eq3A_127 : i32 to vector<16xi32>
      %eq3A_129 = arith.cmpi eq, %iota3A, %eq3A_128 : vector<16xi32>
      %mul3A_130 = arith.constant 16 : i32
      %mul3A_131 = arith.muli %scan3A_72, %mul3A_130 : i32
      %add3A_132 = arith.constant 5 : i32
      %add3A_133 = arith.addi %mul3A_131, %add3A_132 : i32
      %get3A_134 = arith.index_cast %add3A_133 : i32 to index
      %get3A_135 = memref.load %arg9[%get3A_134] : memref<256xi32, #tpu.memory_space<smem>>
      %broadcast_in_dim3A_136 = vector.broadcast %get3A_135 : i32 to vector<16xi32>
      %select_n3A_137 = arith.select %eq3A_129, %broadcast_in_dim3A_136, %select_n3A_126 : vector<16xi1>, vector<16xi32>
      %eq3A_138 = arith.constant 6 : i32
      %eq3A_139 = vector.broadcast %eq3A_138 : i32 to vector<16xi32>
      %eq3A_140 = arith.cmpi eq, %iota3A, %eq3A_139 : vector<16xi32>
      %mul3A_141 = arith.constant 16 : i32
      %mul3A_142 = arith.muli %scan3A_72, %mul3A_141 : i32
      %add3A_143 = arith.constant 6 : i32
      %add3A_144 = arith.addi %mul3A_142, %add3A_143 : i32
      %get3A_145 = arith.index_cast %add3A_144 : i32 to index
      %get3A_146 = memref.load %arg9[%get3A_145] : memref<256xi32, #tpu.memory_space<smem>>
      %broadcast_in_dim3A_147 = vector.broadcast %get3A_146 : i32 to vector<16xi32>
      %select_n3A_148 = arith.select %eq3A_140, %broadcast_in_dim3A_147, %select_n3A_137 : vector<16xi1>, vector<16xi32>
      %eq3A_149 = arith.constant 7 : i32
      %eq3A_150 = vector.broadcast %eq3A_149 : i32 to vector<16xi32>
      %eq3A_151 = arith.cmpi eq, %iota3A, %eq3A_150 : vector<16xi32>
      %mul3A_152 = arith.constant 16 : i32
      %mul3A_153 = arith.muli %scan3A_72, %mul3A_152 : i32
      %add3A_154 = arith.constant 7 : i32
      %add3A_155 = arith.addi %mul3A_153, %add3A_154 : i32
      %get3A_156 = arith.index_cast %add3A_155 : i32 to index
      %get3A_157 = memref.load %arg9[%get3A_156] : memref<256xi32, #tpu.memory_space<smem>>
      %broadcast_in_dim3A_158 = vector.broadcast %get3A_157 : i32 to vector<16xi32>
      %select_n3A_159 = arith.select %eq3A_151, %broadcast_in_dim3A_158, %select_n3A_148 : vector<16xi1>, vector<16xi32>
      %eq3A_160 = arith.constant 8 : i32
      %eq3A_161 = vector.broadcast %eq3A_160 : i32 to vector<16xi32>
      %eq3A_162 = arith.cmpi eq, %iota3A, %eq3A_161 : vector<16xi32>
      %mul3A_163 = arith.constant 16 : i32
      %mul3A_164 = arith.muli %scan3A_72, %mul3A_163 : i32
      %add3A_165 = arith.constant 8 : i32
      %add3A_166 = arith.addi %mul3A_164, %add3A_165 : i32
      %get3A_167 = arith.index_cast %add3A_166 : i32 to index
      %get3A_168 = memref.load %arg9[%get3A_167] : memref<256xi32, #tpu.memory_space<smem>>
      %broadcast_in_dim3A_169 = vector.broadcast %get3A_168 : i32 to vector<16xi32>
      %select_n3A_170 = arith.select %eq3A_162, %broadcast_in_dim3A_169, %select_n3A_159 : vector<16xi1>, vector<16xi32>
      %eq3A_171 = arith.constant 9 : i32
      %eq3A_172 = vector.broadcast %eq3A_171 : i32 to vector<16xi32>
      %eq3A_173 = arith.cmpi eq, %iota3A, %eq3A_172 : vector<16xi32>
      %mul3A_174 = arith.constant 16 : i32
      %mul3A_175 = arith.muli %scan3A_72, %mul3A_174 : i32
      %add3A_176 = arith.constant 9 : i32
      %add3A_177 = arith.addi %mul3A_175, %add3A_176 : i32
      %get3A_178 = arith.index_cast %add3A_177 : i32 to index
      %get3A_179 = memref.load %arg9[%get3A_178] : memref<256xi32, #tpu.memory_space<smem>>
      %broadcast_in_dim3A_180 = vector.broadcast %get3A_179 : i32 to vector<16xi32>
      %select_n3A_181 = arith.select %eq3A_173, %broadcast_in_dim3A_180, %select_n3A_170 : vector<16xi1>, vector<16xi32>
      %eq3A_182 = arith.constant 10 : i32
      %eq3A_183 = vector.broadcast %eq3A_182 : i32 to vector<16xi32>
      %eq3A_184 = arith.cmpi eq, %iota3A, %eq3A_183 : vector<16xi32>
      %mul3A_185 = arith.constant 16 : i32
      %mul3A_186 = arith.muli %scan3A_72, %mul3A_185 : i32
      %add3A_187 = arith.constant 10 : i32
      %add3A_188 = arith.addi %mul3A_186, %add3A_187 : i32
      %get3A_189 = arith.index_cast %add3A_188 : i32 to index
      %get3A_190 = memref.load %arg9[%get3A_189] : memref<256xi32, #tpu.memory_space<smem>>
      %broadcast_in_dim3A_191 = vector.broadcast %get3A_190 : i32 to vector<16xi32>
      %select_n3A_192 = arith.select %eq3A_184, %broadcast_in_dim3A_191, %select_n3A_181 : vector<16xi1>, vector<16xi32>
      %eq3A_193 = arith.constant 11 : i32
      %eq3A_194 = vector.broadcast %eq3A_193 : i32 to vector<16xi32>
      %eq3A_195 = arith.cmpi eq, %iota3A, %eq3A_194 : vector<16xi32>
      %mul3A_196 = arith.constant 16 : i32
      %mul3A_197 = arith.muli %scan3A_72, %mul3A_196 : i32
      %add3A_198 = arith.constant 11 : i32
      %add3A_199 = arith.addi %mul3A_197, %add3A_198 : i32
      %get3A_200 = arith.index_cast %add3A_199 : i32 to index
      %get3A_201 = memref.load %arg9[%get3A_200] : memref<256xi32, #tpu.memory_space<smem>>
      %broadcast_in_dim3A_202 = vector.broadcast %get3A_201 : i32 to vector<16xi32>
      %select_n3A_203 = arith.select %eq3A_195, %broadcast_in_dim3A_202, %select_n3A_192 : vector<16xi1>, vector<16xi32>
      %eq3A_204 = arith.constant 12 : i32
      %eq3A_205 = vector.broadcast %eq3A_204 : i32 to vector<16xi32>
      %eq3A_206 = arith.cmpi eq, %iota3A, %eq3A_205 : vector<16xi32>
      %mul3A_207 = arith.constant 16 : i32
      %mul3A_208 = arith.muli %scan3A_72, %mul3A_207 : i32
      %add3A_209 = arith.constant 12 : i32
      %add3A_210 = arith.addi %mul3A_208, %add3A_209 : i32
      %get3A_211 = arith.index_cast %add3A_210 : i32 to index
      %get3A_212 = memref.load %arg9[%get3A_211] : memref<256xi32, #tpu.memory_space<smem>>
      %broadcast_in_dim3A_213 = vector.broadcast %get3A_212 : i32 to vector<16xi32>
      %select_n3A_214 = arith.select %eq3A_206, %broadcast_in_dim3A_213, %select_n3A_203 : vector<16xi1>, vector<16xi32>
      %eq3A_215 = arith.constant 13 : i32
      %eq3A_216 = vector.broadcast %eq3A_215 : i32 to vector<16xi32>
      %eq3A_217 = arith.cmpi eq, %iota3A, %eq3A_216 : vector<16xi32>
      %mul3A_218 = arith.constant 16 : i32
      %mul3A_219 = arith.muli %scan3A_72, %mul3A_218 : i32
      %add3A_220 = arith.constant 13 : i32
      %add3A_221 = arith.addi %mul3A_219, %add3A_220 : i32
      %get3A_222 = arith.index_cast %add3A_221 : i32 to index
      %get3A_223 = memref.load %arg9[%get3A_222] : memref<256xi32, #tpu.memory_space<smem>>
      %broadcast_in_dim3A_224 = vector.broadcast %get3A_223 : i32 to vector<16xi32>
      %select_n3A_225 = arith.select %eq3A_217, %broadcast_in_dim3A_224, %select_n3A_214 : vector<16xi1>, vector<16xi32>
      %eq3A_226 = arith.constant 14 : i32
      %eq3A_227 = vector.broadcast %eq3A_226 : i32 to vector<16xi32>
      %eq3A_228 = arith.cmpi eq, %iota3A, %eq3A_227 : vector<16xi32>
      %mul3A_229 = arith.constant 16 : i32
      %mul3A_230 = arith.muli %scan3A_72, %mul3A_229 : i32
      %add3A_231 = arith.constant 14 : i32
      %add3A_232 = arith.addi %mul3A_230, %add3A_231 : i32
      %get3A_233 = arith.index_cast %add3A_232 : i32 to index
      %get3A_234 = memref.load %arg9[%get3A_233] : memref<256xi32, #tpu.memory_space<smem>>
      %broadcast_in_dim3A_235 = vector.broadcast %get3A_234 : i32 to vector<16xi32>
      %select_n3A_236 = arith.select %eq3A_228, %broadcast_in_dim3A_235, %select_n3A_225 : vector<16xi1>, vector<16xi32>
      %eq3A_237 = arith.constant 15 : i32
      %eq3A_238 = vector.broadcast %eq3A_237 : i32 to vector<16xi32>
      %eq3A_239 = arith.cmpi eq, %iota3A, %eq3A_238 : vector<16xi32>
      %mul3A_240 = arith.constant 16 : i32
      %mul3A_241 = arith.muli %scan3A_72, %mul3A_240 : i32
      %add3A_242 = arith.constant 15 : i32
      %add3A_243 = arith.addi %mul3A_241, %add3A_242 : i32
      %get3A_244 = arith.index_cast %add3A_243 : i32 to index
      %get3A_245 = memref.load %arg9[%get3A_244] : memref<256xi32, #tpu.memory_space<smem>>
      %broadcast_in_dim3A_246 = vector.broadcast %get3A_245 : i32 to vector<16xi32>
      %select_n3A_247 = arith.select %eq3A_239, %broadcast_in_dim3A_246, %select_n3A_236 : vector<16xi1>, vector<16xi32>
      %jit3A_248 = arith.constant 8 : i32
      %div3A = arith.divsi %scan3A_72, %jit3A_248 : i32
      %sign3A = arith.constant 0 : i32
      %sign3A_249 = arith.cmpi sgt, %scan3A_72, %sign3A : i32
      %sign3A_250 = arith.extui %sign3A_249 : i1 to i32
      %sign3A_251 = arith.constant 0 : i32
      %sign3A_252 = arith.cmpi slt, %scan3A_72, %sign3A_251 : i32
      %sign3A_253 = arith.extui %sign3A_252 : i1 to i32
      %sign3A_254 = arith.subi %sign3A_250, %sign3A_253 : i32
      %sign3A_255 = arith.constant 0 : i32
      %sign3A_256 = arith.cmpi sgt, %jit3A_248, %sign3A_255 : i32
      %sign3A_257 = arith.extui %sign3A_256 : i1 to i32
      %sign3A_258 = arith.constant 0 : i32
      %sign3A_259 = arith.cmpi slt, %jit3A_248, %sign3A_258 : i32
      %sign3A_260 = arith.extui %sign3A_259 : i1 to i32
      %sign3A_261 = arith.subi %sign3A_257, %sign3A_260 : i32
      %ne3A = arith.cmpi ne, %sign3A_254, %sign3A_261 : i32
      %rem3A = arith.remsi %scan3A_72, %jit3A_248 : i32
      %ne3A_262 = arith.constant 0 : i32
      %ne3A_263 = arith.cmpi ne, %rem3A, %ne3A_262 : i32
      %and3A = arith.andi %ne3A, %ne3A_263 : i1
      %sub3A = arith.constant 1 : i32
      %sub3A_264 = arith.subi %div3A, %sub3A : i32
      %select_n3A_265 = arith.select %and3A, %sub3A_264, %div3A : i32
      %jit3A_266 = arith.constant 8 : i32
      %eq3A_267 = arith.constant 0 : i32
      %eq3A_268 = arith.cmpi eq, %jit3A_266, %eq3A_267 : i32
      %jit3A_269 = arith.constant 1 : i32
      %select_n3A_270 = arith.select %eq3A_268, %jit3A_269, %jit3A_266 : i32
      %rem3A_271 = arith.remsi %scan3A_72, %select_n3A_270 : i32
      %ne3A_272 = arith.constant 0 : i32
      %ne3A_273 = arith.cmpi ne, %rem3A_271, %ne3A_272 : i32
      %lt3A = arith.constant 0 : i32
      %lt3A_274 = arith.cmpi slt, %rem3A_271, %lt3A : i32
      %lt3A_275 = arith.constant 0 : i32
      %lt3A_276 = arith.cmpi slt, %select_n3A_270, %lt3A_275 : i32
      %ne3A_277 = arith.xori %lt3A_274, %lt3A_276 : i1
      %and3A_278 = arith.andi %ne3A_277, %ne3A_273 : i1
      %add3A_279 = arith.addi %rem3A_271, %select_n3A_270 : i32
      %select_n3A_280 = arith.select %and3A_278, %add3A_279, %rem3A_271 : i32
      %mul3A_281 = arith.constant 16 : i32
      %mul3A_282 = arith.muli %select_n3A_280, %mul3A_281 : i32
      %swap3A = arith.index_cast %select_n3A_265 : i32 to index
      %swap3A_283 = arith.index_cast %mul3A_282 : i32 to index
      %swap3A_284 = tpu.vector_load %arg7[%swap3A, %swap3A_283] {strides = array<i32>} : memref<2x128xi32, #tpu.memory_space<vmem>>, vector<1x16xi32>,
      %swap3A_285 = vector.shape_cast %swap3A_284 : vector<1x16xi32> to vector<16xi32>
      %swap3A_286 = vector.shape_cast %select_n3A_247 : vector<16xi32> to vector<1x16xi32>
      tpu.vector_store %arg7[%swap3A, %swap3A_283], %swap3A_286 {strides = array<i32>} : memref<2x128xi32, #tpu.memory_space<vmem>>, vector<1x16xi32>,
    }
    %scan3A_62 = arith.constant 16 : i32
    "tpu.trace_stop"() : () -> ()
    %mul3A_63 = arith.constant 256 : i32
    %mul3A_64 = arith.muli %add3A, %mul3A_63 : i32
    %add3A_65 = arith.constant 0 : i32
    %add3A_66 = arith.addi %mul3A_64, %add3A_65 : i32
    %run_scoped3A = arith.constant 0 : i32
    "tpu.region"() ({
      %run_scoped3A_72 = tpu.sem_alloc : memref<!tpu.dma_semaphore, #tpu.memory_space<semaphore_mem>>
      %dma_start3A_73 = arith.constant 0 : i32
      %dma_start3A_74 = tpu.memref_slice %arg7[%run_scoped3A, %dma_start3A_73] : memref<2x128xi32, #tpu.memory_space<vmem>> -> memref<1x128xi32, #tpu.memory_space<vmem>>
      %dma_start3A_75 = tpu.memref_squeeze %dma_start3A_74 : memref<1x128xi32, #tpu.memory_space<vmem>> -> memref<128xi32, #tpu.memory_space<vmem>>
      %dma_start3A_76 = tpu.memref_slice %arg4[%add3A_66] : memref<8192xi32, #tpu.memory_space<hbm>> -> memref<128xi32, #tpu.memory_space<hbm>>
      %dma_start3A_77 = tpu.memref_slice %arg4[%add3A_66] : memref<8192xi32, #tpu.memory_space<hbm>> -> memref<128xi32, #tpu.memory_space<hbm>>
      %dma_start3A_78 = arith.constant 0 : i32
      %dma_start3A_79 = tpu.memref_slice %arg7[%run_scoped3A, %dma_start3A_78] : memref<2x128xi32, #tpu.memory_space<vmem>> -> memref<1x128xi32, #tpu.memory_space<vmem>>
      %dma_start3A_80 = tpu.memref_squeeze %dma_start3A_79 : memref<1x128xi32, #tpu.memory_space<vmem>> -> memref<128xi32, #tpu.memory_space<vmem>>
      tpu.enqueue_dma source(%dma_start3A_80 : memref<128xi32, #tpu.memory_space<vmem>>) target(%dma_start3A_77 : memref<128xi32, #tpu.memory_space<hbm>>) target_semaphore(%run_scoped3A_72 : memref<!tpu.dma_semaphore, #tpu.memory_space<semaphore_mem>>)
      %dma_wait3A_81 = arith.constant 0 : i32
      %dma_wait3A_82 = tpu.memref_slice %arg7[%run_scoped3A, %dma_wait3A_81] : memref<2x128xi32, #tpu.memory_space<vmem>> -> memref<1x128xi32, #tpu.memory_space<vmem>>
      %dma_wait3A_83 = tpu.memref_squeeze %dma_wait3A_82 : memref<1x128xi32, #tpu.memory_space<vmem>> -> memref<128xi32, #tpu.memory_space<vmem>>
      %dma_wait3A_84 = tpu.memref_slice %arg4[%add3A_66] : memref<8192xi32, #tpu.memory_space<hbm>> -> memref<128xi32, #tpu.memory_space<hbm>>
      %dma_wait3A_85 = tpu.memref_slice %arg4[%add3A_66] : memref<8192xi32, #tpu.memory_space<hbm>> -> memref<128xi32, #tpu.memory_space<hbm>>
      %dma_wait3A_86 = arith.constant 0 : i32
      %dma_wait3A_87 = tpu.memref_slice %arg7[%run_scoped3A, %dma_wait3A_86] : memref<2x128xi32, #tpu.memory_space<vmem>> -> memref<1x128xi32, #tpu.memory_space<vmem>>
      %dma_wait3A_88 = tpu.memref_squeeze %dma_wait3A_87 : memref<1x128xi32, #tpu.memory_space<vmem>> -> memref<128xi32, #tpu.memory_space<vmem>>
      tpu.wait_dma2 semaphore(%run_scoped3A_72 : memref<!tpu.dma_semaphore, #tpu.memory_space<semaphore_mem>>) src(%dma_wait3A_88 : memref<128xi32, #tpu.memory_space<vmem>>) dst(%dma_wait3A_85 : memref<128xi32, #tpu.memory_space<hbm>>)
      tpu.yield
    }) : () -> ()
    %mul3A_67 = arith.constant 256 : i32
    %mul3A_68 = arith.muli %add3A, %mul3A_67 : i32
    %add3A_69 = arith.constant 128 : i32
    %add3A_70 = arith.addi %mul3A_68, %add3A_69 : i32
    %run_scoped3A_71 = arith.constant 1 : i32
    "tpu.region"() ({
      %run_scoped3A_72 = tpu.sem_alloc : memref<!tpu.dma_semaphore, #tpu.memory_space<semaphore_mem>>
      %dma_start3A_73 = arith.constant 0 : i32
      %dma_start3A_74 = tpu.memref_slice %arg7[%run_scoped3A_71, %dma_start3A_73] : memref<2x128xi32, #tpu.memory_space<vmem>> -> memref<1x128xi32, #tpu.memory_space<vmem>>
      %dma_start3A_75 = tpu.memref_squeeze %dma_start3A_74 : memref<1x128xi32, #tpu.memory_space<vmem>> -> memref<128xi32, #tpu.memory_space<vmem>>
      %dma_start3A_76 = tpu.memref_slice %arg4[%add3A_70] : memref<8192xi32, #tpu.memory_space<hbm>> -> memref<128xi32, #tpu.memory_space<hbm>>
      %dma_start3A_77 = tpu.memref_slice %arg4[%add3A_70] : memref<8192xi32, #tpu.memory_space<hbm>> -> memref<128xi32, #tpu.memory_space<hbm>>
      %dma_start3A_78 = arith.constant 0 : i32
      %dma_start3A_79 = tpu.memref_slice %arg7[%run_scoped3A_71, %dma_start3A_78] : memref<2x128xi32, #tpu.memory_space<vmem>> -> memref<1x128xi32, #tpu.memory_space<vmem>>
      %dma_start3A_80 = tpu.memref_squeeze %dma_start3A_79 : memref<1x128xi32, #tpu.memory_space<vmem>> -> memref<128xi32, #tpu.memory_space<vmem>>
      tpu.enqueue_dma source(%dma_start3A_80 : memref<128xi32, #tpu.memory_space<vmem>>) target(%dma_start3A_77 : memref<128xi32, #tpu.memory_space<hbm>>) target_semaphore(%run_scoped3A_72 : memref<!tpu.dma_semaphore, #tpu.memory_space<semaphore_mem>>)
      %dma_wait3A_81 = arith.constant 0 : i32
      %dma_wait3A_82 = tpu.memref_slice %arg7[%run_scoped3A_71, %dma_wait3A_81] : memref<2x128xi32, #tpu.memory_space<vmem>> -> memref<1x128xi32, #tpu.memory_space<vmem>>
      %dma_wait3A_83 = tpu.memref_squeeze %dma_wait3A_82 : memref<1x128xi32, #tpu.memory_space<vmem>> -> memref<128xi32, #tpu.memory_space<vmem>>
      %dma_wait3A_84 = tpu.memref_slice %arg4[%add3A_70] : memref<8192xi32, #tpu.memory_space<hbm>> -> memref<128xi32, #tpu.memory_space<hbm>>
      %dma_wait3A_85 = tpu.memref_slice %arg4[%add3A_70] : memref<8192xi32, #tpu.memory_space<hbm>> -> memref<128xi32, #tpu.memory_space<hbm>>
      %dma_wait3A_86 = arith.constant 0 : i32
      %dma_wait3A_87 = tpu.memref_slice %arg7[%run_scoped3A_71, %dma_wait3A_86] : memref<2x128xi32, #tpu.memory_space<vmem>> -> memref<1x128xi32, #tpu.memory_space<vmem>>
      %dma_wait3A_88 = tpu.memref_squeeze %dma_wait3A_87 : memref<1x128xi32, #tpu.memory_space<vmem>> -> memref<128xi32, #tpu.memory_space<vmem>>
      tpu.wait_dma2 semaphore(%run_scoped3A_72 : memref<!tpu.dma_semaphore, #tpu.memory_space<semaphore_mem>>) src(%dma_wait3A_88 : memref<128xi32, #tpu.memory_space<vmem>>) dst(%dma_wait3A_85 : memref<128xi32, #tpu.memory_space<hbm>>)
      tpu.yield
    }) : () -> ()
    return
  }
}

module attributes {stable_mosaic.version = 14 : i64} {
  func.func @_tc_entropy_body(%arg0: memref<1024x8xi32, #tpu.memory_space<vmem>>, %arg1: memref<8x1000x84xf32, #tpu.memory_space<vmem>>, %arg2: memref<1024xf32, #tpu.memory_space<vmem>>) attributes {dimension_semantics = [], scalar_prefetch = 0 : i64, scratch_operands = 0 : i64, tpu.core_type = #tpu.core_type<tc>} {
    %get3A = arith.constant 0 : index
    %get3A_0 = arith.constant 0 : index
    %get3A_1 = vector.load %arg0[%get3A, %get3A_0] : memref<1024x8xi32, #tpu.memory_space<vmem>>, vector<1024x8xi32>
    %broadcast_in_dim3A = arith.constant 0.000000e+00 : f32
    %broadcast_in_dim3A_2 = vector.broadcast %broadcast_in_dim3A : f32 to vector<1024x84xf32>
    %get3A_3 = arith.constant 0 : index
    %get3A_4 = arith.constant 0 : index
    %get3A_5 = arith.constant 0 : index
    %get3A_6 = vector.load %arg1[%get3A_3, %get3A_4, %get3A_5] : memref<8x1000x84xf32, #tpu.memory_space<vmem>>, vector<1x1000x84xf32>
    %get3A_7 = vector.shape_cast %get3A_6 : vector<1x1000x84xf32> to vector<1000x84xf32>
    %log3A = math.log %get3A_7 : vector<1000x84xf32>
    %mul3A = arith.mulf %get3A_7, %log3A : vector<1000x84xf32>
    %neg3A = arith.constant 0.000000e+00 : f32
    %neg3A_8 = vector.broadcast %neg3A : f32 to vector<1000x84xf32>
    %neg3A_9 = arith.subf %neg3A_8, %mul3A : vector<1000x84xf32>
    %iota3A = tpu.iota {dimensions = array<i32: 1>} : vector<1024x1000xi32>
    %add3A = arith.constant 0 : i32
    %add3A_10 = vector.broadcast %add3A : i32 to vector<1024x1000xi32>
    %add3A_11 = arith.addi %iota3A, %add3A_10 : vector<1024x1000xi32>
    %slice3A = vector.extract_strided_slice %get3A_1 {offsets = [0, 0], sizes = [1024, 1], strides = [1, 1]} : vector<1024x8xi32> to vector<1024x1xi32>
    %squeeze3A = vector.shape_cast %slice3A : vector<1024x1xi32> to vector<1024xi32>
    %broadcast_in_dim3A_12 = vector.shape_cast %squeeze3A : vector<1024xi32> to vector<1024x1xi32>
    %eq3A = vector.broadcast %broadcast_in_dim3A_12 : vector<1024x1xi32> to vector<1024x1000xi32>
    %eq3A_13 = arith.cmpi eq, %eq3A, %add3A_11 : vector<1024x1000xi32>
    %convert_element_type3A = arith.extui %eq3A_13 : vector<1024x1000xi1> to vector<1024x1000xi32>
    %convert_element_type3A_14 = arith.sitofp %convert_element_type3A : vector<1024x1000xi32> to vector<1024x1000xf32>
    %dot_general3A = arith.constant dense<0.000000e+00> : vector<1024x84xf32>
    %dot_general3A_15 = tpu.matmul %convert_element_type3A_14, %neg3A_9, %dot_general3A {dimension_numbers = #tpu.dot_dimension_numbers<[1], [0], [0], [1], [0, 0, 1, 1], [], []>, transpose_lhs_hint = false} : vector<1024x1000xf32>, vector<1000x84xf32>, vector<1024x84xf32> -> vector<1024x84xf32>
    %add3A_16 = arith.addf %broadcast_in_dim3A_2, %dot_general3A_15 : vector<1024x84xf32>
    %get3A_17 = arith.constant 1 : index
    %get3A_18 = arith.constant 0 : index
    %get3A_19 = arith.constant 0 : index
    %get3A_20 = vector.load %arg1[%get3A_17, %get3A_18, %get3A_19] : memref<8x1000x84xf32, #tpu.memory_space<vmem>>, vector<1x1000x84xf32>
    %get3A_21 = vector.shape_cast %get3A_20 : vector<1x1000x84xf32> to vector<1000x84xf32>
    %log3A_22 = math.log %get3A_21 : vector<1000x84xf32>
    %mul3A_23 = arith.mulf %get3A_21, %log3A_22 : vector<1000x84xf32>
    %neg3A_24 = arith.constant 0.000000e+00 : f32
    %neg3A_25 = vector.broadcast %neg3A_24 : f32 to vector<1000x84xf32>
    %neg3A_26 = arith.subf %neg3A_25, %mul3A_23 : vector<1000x84xf32>
    %iota3A_27 = tpu.iota {dimensions = array<i32: 1>} : vector<1024x1000xi32>
    %add3A_28 = arith.constant 1000 : i32
    %add3A_29 = vector.broadcast %add3A_28 : i32 to vector<1024x1000xi32>
    %add3A_30 = arith.addi %iota3A_27, %add3A_29 : vector<1024x1000xi32>
    %slice3A_31 = vector.extract_strided_slice %get3A_1 {offsets = [0, 1], sizes = [1024, 1], strides = [1, 1]} : vector<1024x8xi32> to vector<1024x1xi32>
    %squeeze3A_32 = vector.shape_cast %slice3A_31 : vector<1024x1xi32> to vector<1024xi32>
    %broadcast_in_dim3A_33 = vector.shape_cast %squeeze3A_32 : vector<1024xi32> to vector<1024x1xi32>
    %eq3A_34 = vector.broadcast %broadcast_in_dim3A_33 : vector<1024x1xi32> to vector<1024x1000xi32>
    %eq3A_35 = arith.cmpi eq, %eq3A_34, %add3A_30 : vector<1024x1000xi32>
    %convert_element_type3A_36 = arith.extui %eq3A_35 : vector<1024x1000xi1> to vector<1024x1000xi32>
    %convert_element_type3A_37 = arith.sitofp %convert_element_type3A_36 : vector<1024x1000xi32> to vector<1024x1000xf32>
    %dot_general3A_38 = arith.constant dense<0.000000e+00> : vector<1024x84xf32>
    %dot_general3A_39 = tpu.matmul %convert_element_type3A_37, %neg3A_26, %dot_general3A_38 {dimension_numbers = #tpu.dot_dimension_numbers<[1], [0], [0], [1], [0, 0, 1, 1], [], []>, transpose_lhs_hint = false} : vector<1024x1000xf32>, vector<1000x84xf32>, vector<1024x84xf32> -> vector<1024x84xf32>
    %add3A_40 = arith.addf %add3A_16, %dot_general3A_39 : vector<1024x84xf32>
    %get3A_41 = arith.constant 2 : index
    %get3A_42 = arith.constant 0 : index
    %get3A_43 = arith.constant 0 : index
    %get3A_44 = vector.load %arg1[%get3A_41, %get3A_42, %get3A_43] : memref<8x1000x84xf32, #tpu.memory_space<vmem>>, vector<1x1000x84xf32>
    %get3A_45 = vector.shape_cast %get3A_44 : vector<1x1000x84xf32> to vector<1000x84xf32>
    %log3A_46 = math.log %get3A_45 : vector<1000x84xf32>
    %mul3A_47 = arith.mulf %get3A_45, %log3A_46 : vector<1000x84xf32>
    %neg3A_48 = arith.constant 0.000000e+00 : f32
    %neg3A_49 = vector.broadcast %neg3A_48 : f32 to vector<1000x84xf32>
    %neg3A_50 = arith.subf %neg3A_49, %mul3A_47 : vector<1000x84xf32>
    %iota3A_51 = tpu.iota {dimensions = array<i32: 1>} : vector<1024x1000xi32>
    %add3A_52 = arith.constant 2000 : i32
    %add3A_53 = vector.broadcast %add3A_52 : i32 to vector<1024x1000xi32>
    %add3A_54 = arith.addi %iota3A_51, %add3A_53 : vector<1024x1000xi32>
    %slice3A_55 = vector.extract_strided_slice %get3A_1 {offsets = [0, 2], sizes = [1024, 1], strides = [1, 1]} : vector<1024x8xi32> to vector<1024x1xi32>
    %squeeze3A_56 = vector.shape_cast %slice3A_55 : vector<1024x1xi32> to vector<1024xi32>
    %broadcast_in_dim3A_57 = vector.shape_cast %squeeze3A_56 : vector<1024xi32> to vector<1024x1xi32>
    %eq3A_58 = vector.broadcast %broadcast_in_dim3A_57 : vector<1024x1xi32> to vector<1024x1000xi32>
    %eq3A_59 = arith.cmpi eq, %eq3A_58, %add3A_54 : vector<1024x1000xi32>
    %convert_element_type3A_60 = arith.extui %eq3A_59 : vector<1024x1000xi1> to vector<1024x1000xi32>
    %convert_element_type3A_61 = arith.sitofp %convert_element_type3A_60 : vector<1024x1000xi32> to vector<1024x1000xf32>
    %dot_general3A_62 = arith.constant dense<0.000000e+00> : vector<1024x84xf32>
    %dot_general3A_63 = tpu.matmul %convert_element_type3A_61, %neg3A_50, %dot_general3A_62 {dimension_numbers = #tpu.dot_dimension_numbers<[1], [0], [0], [1], [0, 0, 1, 1], [], []>, transpose_lhs_hint = false} : vector<1024x1000xf32>, vector<1000x84xf32>, vector<1024x84xf32> -> vector<1024x84xf32>
    %add3A_64 = arith.addf %add3A_40, %dot_general3A_63 : vector<1024x84xf32>
    %get3A_65 = arith.constant 3 : index
    %get3A_66 = arith.constant 0 : index
    %get3A_67 = arith.constant 0 : index
    %get3A_68 = vector.load %arg1[%get3A_65, %get3A_66, %get3A_67] : memref<8x1000x84xf32, #tpu.memory_space<vmem>>, vector<1x1000x84xf32>
    %get3A_69 = vector.shape_cast %get3A_68 : vector<1x1000x84xf32> to vector<1000x84xf32>
    %log3A_70 = math.log %get3A_69 : vector<1000x84xf32>
    %mul3A_71 = arith.mulf %get3A_69, %log3A_70 : vector<1000x84xf32>
    %neg3A_72 = arith.constant 0.000000e+00 : f32
    %neg3A_73 = vector.broadcast %neg3A_72 : f32 to vector<1000x84xf32>
    %neg3A_74 = arith.subf %neg3A_73, %mul3A_71 : vector<1000x84xf32>
    %iota3A_75 = tpu.iota {dimensions = array<i32: 1>} : vector<1024x1000xi32>
    %add3A_76 = arith.constant 3000 : i32
    %add3A_77 = vector.broadcast %add3A_76 : i32 to vector<1024x1000xi32>
    %add3A_78 = arith.addi %iota3A_75, %add3A_77 : vector<1024x1000xi32>
    %slice3A_79 = vector.extract_strided_slice %get3A_1 {offsets = [0, 3], sizes = [1024, 1], strides = [1, 1]} : vector<1024x8xi32> to vector<1024x1xi32>
    %squeeze3A_80 = vector.shape_cast %slice3A_79 : vector<1024x1xi32> to vector<1024xi32>
    %broadcast_in_dim3A_81 = vector.shape_cast %squeeze3A_80 : vector<1024xi32> to vector<1024x1xi32>
    %eq3A_82 = vector.broadcast %broadcast_in_dim3A_81 : vector<1024x1xi32> to vector<1024x1000xi32>
    %eq3A_83 = arith.cmpi eq, %eq3A_82, %add3A_78 : vector<1024x1000xi32>
    %convert_element_type3A_84 = arith.extui %eq3A_83 : vector<1024x1000xi1> to vector<1024x1000xi32>
    %convert_element_type3A_85 = arith.sitofp %convert_element_type3A_84 : vector<1024x1000xi32> to vector<1024x1000xf32>
    %dot_general3A_86 = arith.constant dense<0.000000e+00> : vector<1024x84xf32>
    %dot_general3A_87 = tpu.matmul %convert_element_type3A_85, %neg3A_74, %dot_general3A_86 {dimension_numbers = #tpu.dot_dimension_numbers<[1], [0], [0], [1], [0, 0, 1, 1], [], []>, transpose_lhs_hint = false} : vector<1024x1000xf32>, vector<1000x84xf32>, vector<1024x84xf32> -> vector<1024x84xf32>
    %add3A_88 = arith.addf %add3A_64, %dot_general3A_87 : vector<1024x84xf32>
    %get3A_89 = arith.constant 4 : index
    %get3A_90 = arith.constant 0 : index
    %get3A_91 = arith.constant 0 : index
    %get3A_92 = vector.load %arg1[%get3A_89, %get3A_90, %get3A_91] : memref<8x1000x84xf32, #tpu.memory_space<vmem>>, vector<1x1000x84xf32>
    %get3A_93 = vector.shape_cast %get3A_92 : vector<1x1000x84xf32> to vector<1000x84xf32>
    %log3A_94 = math.log %get3A_93 : vector<1000x84xf32>
    %mul3A_95 = arith.mulf %get3A_93, %log3A_94 : vector<1000x84xf32>
    %neg3A_96 = arith.constant 0.000000e+00 : f32
    %neg3A_97 = vector.broadcast %neg3A_96 : f32 to vector<1000x84xf32>
    %neg3A_98 = arith.subf %neg3A_97, %mul3A_95 : vector<1000x84xf32>
    %iota3A_99 = tpu.iota {dimensions = array<i32: 1>} : vector<1024x1000xi32>
    %add3A_100 = arith.constant 4000 : i32
    %add3A_101 = vector.broadcast %add3A_100 : i32 to vector<1024x1000xi32>
    %add3A_102 = arith.addi %iota3A_99, %add3A_101 : vector<1024x1000xi32>
    %slice3A_103 = vector.extract_strided_slice %get3A_1 {offsets = [0, 4], sizes = [1024, 1], strides = [1, 1]} : vector<1024x8xi32> to vector<1024x1xi32>
    %squeeze3A_104 = vector.shape_cast %slice3A_103 : vector<1024x1xi32> to vector<1024xi32>
    %broadcast_in_dim3A_105 = vector.shape_cast %squeeze3A_104 : vector<1024xi32> to vector<1024x1xi32>
    %eq3A_106 = vector.broadcast %broadcast_in_dim3A_105 : vector<1024x1xi32> to vector<1024x1000xi32>
    %eq3A_107 = arith.cmpi eq, %eq3A_106, %add3A_102 : vector<1024x1000xi32>
    %convert_element_type3A_108 = arith.extui %eq3A_107 : vector<1024x1000xi1> to vector<1024x1000xi32>
    %convert_element_type3A_109 = arith.sitofp %convert_element_type3A_108 : vector<1024x1000xi32> to vector<1024x1000xf32>
    %dot_general3A_110 = arith.constant dense<0.000000e+00> : vector<1024x84xf32>
    %dot_general3A_111 = tpu.matmul %convert_element_type3A_109, %neg3A_98, %dot_general3A_110 {dimension_numbers = #tpu.dot_dimension_numbers<[1], [0], [0], [1], [0, 0, 1, 1], [], []>, transpose_lhs_hint = false} : vector<1024x1000xf32>, vector<1000x84xf32>, vector<1024x84xf32> -> vector<1024x84xf32>
    %add3A_112 = arith.addf %add3A_88, %dot_general3A_111 : vector<1024x84xf32>
    %get3A_113 = arith.constant 5 : index
    %get3A_114 = arith.constant 0 : index
    %get3A_115 = arith.constant 0 : index
    %get3A_116 = vector.load %arg1[%get3A_113, %get3A_114, %get3A_115] : memref<8x1000x84xf32, #tpu.memory_space<vmem>>, vector<1x1000x84xf32>
    %get3A_117 = vector.shape_cast %get3A_116 : vector<1x1000x84xf32> to vector<1000x84xf32>
    %log3A_118 = math.log %get3A_117 : vector<1000x84xf32>
    %mul3A_119 = arith.mulf %get3A_117, %log3A_118 : vector<1000x84xf32>
    %neg3A_120 = arith.constant 0.000000e+00 : f32
    %neg3A_121 = vector.broadcast %neg3A_120 : f32 to vector<1000x84xf32>
    %neg3A_122 = arith.subf %neg3A_121, %mul3A_119 : vector<1000x84xf32>
    %iota3A_123 = tpu.iota {dimensions = array<i32: 1>} : vector<1024x1000xi32>
    %add3A_124 = arith.constant 5000 : i32
    %add3A_125 = vector.broadcast %add3A_124 : i32 to vector<1024x1000xi32>
    %add3A_126 = arith.addi %iota3A_123, %add3A_125 : vector<1024x1000xi32>
    %slice3A_127 = vector.extract_strided_slice %get3A_1 {offsets = [0, 5], sizes = [1024, 1], strides = [1, 1]} : vector<1024x8xi32> to vector<1024x1xi32>
    %squeeze3A_128 = vector.shape_cast %slice3A_127 : vector<1024x1xi32> to vector<1024xi32>
    %broadcast_in_dim3A_129 = vector.shape_cast %squeeze3A_128 : vector<1024xi32> to vector<1024x1xi32>
    %eq3A_130 = vector.broadcast %broadcast_in_dim3A_129 : vector<1024x1xi32> to vector<1024x1000xi32>
    %eq3A_131 = arith.cmpi eq, %eq3A_130, %add3A_126 : vector<1024x1000xi32>
    %convert_element_type3A_132 = arith.extui %eq3A_131 : vector<1024x1000xi1> to vector<1024x1000xi32>
    %convert_element_type3A_133 = arith.sitofp %convert_element_type3A_132 : vector<1024x1000xi32> to vector<1024x1000xf32>
    %dot_general3A_134 = arith.constant dense<0.000000e+00> : vector<1024x84xf32>
    %dot_general3A_135 = tpu.matmul %convert_element_type3A_133, %neg3A_122, %dot_general3A_134 {dimension_numbers = #tpu.dot_dimension_numbers<[1], [0], [0], [1], [0, 0, 1, 1], [], []>, transpose_lhs_hint = false} : vector<1024x1000xf32>, vector<1000x84xf32>, vector<1024x84xf32> -> vector<1024x84xf32>
    %add3A_136 = arith.addf %add3A_112, %dot_general3A_135 : vector<1024x84xf32>
    %get3A_137 = arith.constant 6 : index
    %get3A_138 = arith.constant 0 : index
    %get3A_139 = arith.constant 0 : index
    %get3A_140 = vector.load %arg1[%get3A_137, %get3A_138, %get3A_139] : memref<8x1000x84xf32, #tpu.memory_space<vmem>>, vector<1x1000x84xf32>
    %get3A_141 = vector.shape_cast %get3A_140 : vector<1x1000x84xf32> to vector<1000x84xf32>
    %log3A_142 = math.log %get3A_141 : vector<1000x84xf32>
    %mul3A_143 = arith.mulf %get3A_141, %log3A_142 : vector<1000x84xf32>
    %neg3A_144 = arith.constant 0.000000e+00 : f32
    %neg3A_145 = vector.broadcast %neg3A_144 : f32 to vector<1000x84xf32>
    %neg3A_146 = arith.subf %neg3A_145, %mul3A_143 : vector<1000x84xf32>
    %iota3A_147 = tpu.iota {dimensions = array<i32: 1>} : vector<1024x1000xi32>
    %add3A_148 = arith.constant 6000 : i32
    %add3A_149 = vector.broadcast %add3A_148 : i32 to vector<1024x1000xi32>
    %add3A_150 = arith.addi %iota3A_147, %add3A_149 : vector<1024x1000xi32>
    %slice3A_151 = vector.extract_strided_slice %get3A_1 {offsets = [0, 6], sizes = [1024, 1], strides = [1, 1]} : vector<1024x8xi32> to vector<1024x1xi32>
    %squeeze3A_152 = vector.shape_cast %slice3A_151 : vector<1024x1xi32> to vector<1024xi32>
    %broadcast_in_dim3A_153 = vector.shape_cast %squeeze3A_152 : vector<1024xi32> to vector<1024x1xi32>
    %eq3A_154 = vector.broadcast %broadcast_in_dim3A_153 : vector<1024x1xi32> to vector<1024x1000xi32>
    %eq3A_155 = arith.cmpi eq, %eq3A_154, %add3A_150 : vector<1024x1000xi32>
    %convert_element_type3A_156 = arith.extui %eq3A_155 : vector<1024x1000xi1> to vector<1024x1000xi32>
    %convert_element_type3A_157 = arith.sitofp %convert_element_type3A_156 : vector<1024x1000xi32> to vector<1024x1000xf32>
    %dot_general3A_158 = arith.constant dense<0.000000e+00> : vector<1024x84xf32>
    %dot_general3A_159 = tpu.matmul %convert_element_type3A_157, %neg3A_146, %dot_general3A_158 {dimension_numbers = #tpu.dot_dimension_numbers<[1], [0], [0], [1], [0, 0, 1, 1], [], []>, transpose_lhs_hint = false} : vector<1024x1000xf32>, vector<1000x84xf32>, vector<1024x84xf32> -> vector<1024x84xf32>
    %add3A_160 = arith.addf %add3A_136, %dot_general3A_159 : vector<1024x84xf32>
    %get3A_161 = arith.constant 7 : index
    %get3A_162 = arith.constant 0 : index
    %get3A_163 = arith.constant 0 : index
    %get3A_164 = vector.load %arg1[%get3A_161, %get3A_162, %get3A_163] : memref<8x1000x84xf32, #tpu.memory_space<vmem>>, vector<1x1000x84xf32>
    %get3A_165 = vector.shape_cast %get3A_164 : vector<1x1000x84xf32> to vector<1000x84xf32>
    %log3A_166 = math.log %get3A_165 : vector<1000x84xf32>
    %mul3A_167 = arith.mulf %get3A_165, %log3A_166 : vector<1000x84xf32>
    %neg3A_168 = arith.constant 0.000000e+00 : f32
    %neg3A_169 = vector.broadcast %neg3A_168 : f32 to vector<1000x84xf32>
    %neg3A_170 = arith.subf %neg3A_169, %mul3A_167 : vector<1000x84xf32>
    %iota3A_171 = tpu.iota {dimensions = array<i32: 1>} : vector<1024x1000xi32>
    %add3A_172 = arith.constant 7000 : i32
    %add3A_173 = vector.broadcast %add3A_172 : i32 to vector<1024x1000xi32>
    %add3A_174 = arith.addi %iota3A_171, %add3A_173 : vector<1024x1000xi32>
    %slice3A_175 = vector.extract_strided_slice %get3A_1 {offsets = [0, 7], sizes = [1024, 1], strides = [1, 1]} : vector<1024x8xi32> to vector<1024x1xi32>
    %squeeze3A_176 = vector.shape_cast %slice3A_175 : vector<1024x1xi32> to vector<1024xi32>
    %broadcast_in_dim3A_177 = vector.shape_cast %squeeze3A_176 : vector<1024xi32> to vector<1024x1xi32>
    %eq3A_178 = vector.broadcast %broadcast_in_dim3A_177 : vector<1024x1xi32> to vector<1024x1000xi32>
    %eq3A_179 = arith.cmpi eq, %eq3A_178, %add3A_174 : vector<1024x1000xi32>
    %convert_element_type3A_180 = arith.extui %eq3A_179 : vector<1024x1000xi1> to vector<1024x1000xi32>
    %convert_element_type3A_181 = arith.sitofp %convert_element_type3A_180 : vector<1024x1000xi32> to vector<1024x1000xf32>
    %dot_general3A_182 = arith.constant dense<0.000000e+00> : vector<1024x84xf32>
    %dot_general3A_183 = tpu.matmul %convert_element_type3A_181, %neg3A_170, %dot_general3A_182 {dimension_numbers = #tpu.dot_dimension_numbers<[1], [0], [0], [1], [0, 0, 1, 1], [], []>, transpose_lhs_hint = false} : vector<1024x1000xf32>, vector<1000x84xf32>, vector<1024x84xf32> -> vector<1024x84xf32>
    %add3A_184 = arith.addf %add3A_160, %dot_general3A_183 : vector<1024x84xf32>
    %reduce_max3A = arith.constant dense<0xFF800000> : vector<1024xf32>
    %reduce_max3A_185 = vector.multi_reduction <maximumf>, %add3A_184, %reduce_max3A [1] : vector<1024x84xf32> to vector<1024xf32>
    %broadcast_in_dim3A_186 = vector.shape_cast %reduce_max3A_185 : vector<1024xf32> to vector<1024x1xf32>
    %sub3A = vector.broadcast %broadcast_in_dim3A_186 : vector<1024x1xf32> to vector<1024x84xf32>
    %sub3A_187 = arith.subf %add3A_184, %sub3A : vector<1024x84xf32>
    %exp3A = math.exp %sub3A_187 : vector<1024x84xf32>
    %reduce_min3A = arith.constant dense<0x7F800000> : vector<1024xf32>
    %reduce_min3A_188 = vector.multi_reduction <minimumf>, %exp3A, %reduce_min3A [1] : vector<1024x84xf32> to vector<1024xf32>
    %reduce_sum3A = arith.constant dense<0.000000e+00> : vector<1024xf32>
    %reduce_sum3A_189 = vector.multi_reduction <add>, %exp3A, %reduce_sum3A [1] : vector<1024x84xf32> to vector<1024xf32>
    %div3A = arith.divf %reduce_min3A_188, %reduce_sum3A_189 : vector<1024xf32>
    %sub3A_190 = arith.constant 1.000000e+00 : f32
    %sub3A_191 = vector.broadcast %sub3A_190 : f32 to vector<1024xf32>
    %sub3A_192 = arith.subf %sub3A_191, %div3A : vector<1024xf32>
    %swap3A = arith.constant 0 : index
    %swap3A_193 = vector.load %arg2[%swap3A] : memref<1024xf32, #tpu.memory_space<vmem>>, vector<1024xf32>
    tpu.vector_store %arg2[%swap3A], %sub3A_192 {strides = array<i32>} : memref<1024xf32, #tpu.memory_space<vmem>>, vector<1024xf32>,
    return
  }
}

</mosaic_0001>

<sc_bundles>
// kernel: kernel.4.cloned.1.call-start
scs
__scs_entry_jumppad:
0x0: {  	(pc) =	sbr.rel $0x88, $3  }
0x1: {  	(tag) =	ssettag $0x0;
	lr =	simm.s32 $0x1  }
0x2: {  	[smem:$0x3F9E] =	sst lr;
	_ =	strace $0xD0000000  }
0x3: {  	_ = 	snop  }
0x4: {  	_ = 	snop  }
0x5: {  	_ = 	snop  }
0x6: {  	_ = 	snop  }
0x7: {  	_ = 	snop  }
__scs_overlays_trampoline_lowered:
0x8: {  	[smem:$0x3FAD] =	sst s0  }
0x9: {  	[smem:$0x3FAE] =	sst s1  }
0xa: {  	[smem:$0x3FAF] =	sst s2  }
0xb: {  	[smem:$0x3FB0] =	sst s3  }
0xc: {  	[smem:$0x3FB1] =	sst s4  }
0xd: {  	[smem:$0x3FB2] =	sst s5  }
0xe: {  	[smem:$0x3FB3] =	sst s6  }
0xf: {  	[smem:$0x3FB4] =	sst s7  }
0x10: {  	[smem:$0x3FB5] =	sst s8  }
0x11: {  	[smem:$0x3FB6] =	sst s9;
	s0 =	simm.s32 @!p0 $0x0  }
0x12: {  	s1 =	sld [smem:$0x3F9C];
	s0 =	simm.s32 @p0 $0x1  }
0x13: {  	[smem:$0x3FB7] =	sst s0;
	s0 =	simm.s32 @!p1 $0x0  }
0x14: {  	s2 =	sld [smem:$0x3F9B];
	s0 =	simm.s32 @p1 $0x1  }
0x15: {  	[smem:$0x3FB8] =	sst s0;
	s0 =	simm.s32 @!p2 $0x0  }
0x16: {  	s3 =	sld [smem:$0x3FDB];
	s0 =	simm.s32 @p2 $0x1  }
0x17: {  	s4 =	simm.s32 $0x1BF5;
	[smem:$0x3FBA] =	sst s0  }
0x18: {  	s0 =	sld [smem:$0x3F9D];
	_ =	swait.ge [sflag:s4], $0x0  }
0x19: {  	s7 =	sld [smem:$0x3F9E]  }
0x1a: {  	s8 =	sadd.s32 $0xFFFFE003, lr  }
0x1b: {  	s9 =	sadd.s32 $0xFFFFFEF7, lr;
	s5 =	simm.s32 $0xFFFFFFFF;
	p2 =	slt.u32 s8, $0xFFFFF086  }
0x1c: {  	p1 =	slt.u32 s9, $0xF7A;
	s5 =	simm.s32 @!p2 $0x0  }
0x1d: {  	s5 =	simm.s32 @p1 $0x1;
	p0 =	seq.s32 s7, s2  }
0x1e: {  	s7 =	smul.u32 @!p0 $0xF7A, s2;
	p2 =	seq.s32 @!p0 s5, $0x0  }
0x1f: {  	s9 =	smul.u32 $0xF7A, s1;
	s8 =	simm.s32 @!p0 $0x1BF5;
	p2 =	por !p2, p0  }
0x20: {  	[sflag:s8] =	ssyncset.s32 @!p0 $0xFFFFF086;
	s6 =	sadd.s32 @!p0 s3, s7;
	s7 =	simm.s32 @!p0 $0x108  }
0x21: {  	s3 =	sadd.s32 s3, s9;
	s6 =	sadd.s32 @!p0 $0x88, s6;
	s7 =	simm.s32 @p2 $0x1082  }
0x22: {  	[simem:s7], [sflag:s8] =	dma.local @!p0 [hbm:s6], $0xF7A  }
0x23: {  	s9 =	sor.u32 $0xD0000000, s2;
	s6 =	simm.s32 $0x108;
	_ =	swait.ge @!p0 [sflag:s8], $0x0  }
0x24: {  	s3 =	sadd.s32 $0x88, s3;
	s6 =	simm.s32 @!p1 $0x1082;
	[sflag:s4] =	ssyncset.s32 $0xFFFFF086  }
0x25: {  	[simem:s6], [sflag:s4] =	dma.local [hbm:s3], $0xF7A  }
0x26: {  	[smem:$0x3F9E] =	sst s1;
	(tag) =	ssettag s2;
	_ =	strace s9  }
0x27: {  	s1 =	sld [smem:$0x3FAE]  }
0x28: {  	s2 =	sld [smem:$0x3FAF]  }
0x29: {  	s4 =	sld [smem:$0x3FB1]  }
0x2a: {  	p0 =	seq.s32 s5, $0x0;
	s5 =	sld [smem:$0x3FB2]  }
0x2b: {  	s6 =	sld [smem:$0x3FB3]  }
0x2c: {  	s7 =	sld [smem:$0x3FB4]  }
0x2d: {  	s3 =	simm.s32 $0x108;
	s8 =	sld [smem:$0x3FB5]  }
0x2e: {  	s3 =	simm.s32 @!p0 $0x1082;
	s9 =	sld [smem:$0x3FB6]  }
0x2f: {  	lr =	sadd.s32 s0, s3;
	s0 =	sld [smem:$0x3FAD]  }
0x30: {  	s3 =	sld [smem:$0x3FB0]  }
0x31: {  	[smem:$0x3FB9] =	sst s10  }
0x32: {  	s10 =	sld [smem:$0x3FB7];
	_ =	sdelay $0x3  }
0x33: {  	p0 =	seq.s32 s10, $0x1;
	s10 =	sld [smem:$0x3FB9];
	_ =	sdelay $0x3  }
0x34: {  	[smem:$0x3FB9] =	sst s10  }
0x35: {  	s10 =	sld [smem:$0x3FB8];
	_ =	sdelay $0x3  }
0x36: {  	p1 =	seq.s32 s10, $0x1;
	s10 =	sld [smem:$0x3FB9];
	_ =	sdelay $0x3  }
0x37: {  	[smem:$0x3FB9] =	sst s10  }
0x38: {  	s10 =	sld [smem:$0x3FBA]  }
0x39: {  	_ = 	snop;
	(pc) =	sbr.ind lr, $3  }
0x3a: {  	_ = 	snop  }
0x3b: {  	_ = 	snop  }
0x3c: {  	p2 =	seq.s32 s10, $0x1;
	s10 =	sld [smem:$0x3FB9]  }
0x3d: {  	_ =	shalt  }
0x3e: {  	_ =	shalt  }
0x3f: {  	_ =	shalt  }
0x40: {  	_ =	shalt  }
0x41: {  	_ =	shalt  }
0x42: {  	_ =	shalt  }
0x43: {  	_ =	shalt  }
0x44: {  	_ =	shalt  }
0x45: {  	_ =	shalt  }
0x46: {  	_ =	shalt  }
0x47: {  	_ =	shalt  }
0x48: {  	_ =	shalt  }
0x49: {  	_ =	shalt  }
0x4a: {  	_ =	shalt  }
0x4b: {  	_ =	shalt  }
0x4c: {  	_ =	shalt  }
0x4d: {  	_ =	shalt  }
0x4e: {  	_ =	shalt  }
0x4f: {  	_ =	shalt  }
0x50: {  	_ =	shalt  }
0x51: {  	_ =	shalt  }
0x52: {  	_ =	shalt  }
0x53: {  	_ =	shalt  }
0x54: {  	_ =	shalt  }
0x55: {  	_ =	shalt  }
0x56: {  	_ =	shalt  }
0x57: {  	_ =	shalt  }
0x58: {  	_ =	shalt  }
0x59: {  	_ =	shalt  }
0x5a: {  	_ =	shalt  }
0x5b: {  	_ =	shalt  }
0x5c: {  	_ =	shalt  }
0x5d: {  	_ =	shalt  }
0x5e: {  	_ =	shalt  }
0x5f: {  	_ =	shalt  }
0x60: {  	_ =	shalt  }
0x61: {  	_ =	shalt  }
0x62: {  	_ =	shalt  }
0x63: {  	_ =	shalt  }
0x64: {  	_ =	shalt  }
0x65: {  	_ =	shalt  }
0x66: {  	_ =	shalt  }
0x67: {  	_ =	shalt  }
0x68: {  	_ =	shalt  }
0x69: {  	_ =	shalt  }
0x6a: {  	_ =	shalt  }
0x6b: {  	_ =	shalt  }
0x6c: {  	_ =	shalt  }
0x6d: {  	_ =	shalt  }
0x6e: {  	_ =	shalt  }
0x6f: {  	_ =	shalt  }
0x70: {  	_ =	shalt  }
0x71: {  	_ =	shalt  }
0x72: {  	_ =	shalt  }
0x73: {  	_ =	shalt  }
0x74: {  	_ =	shalt  }
0x75: {  	_ =	shalt  }
0x76: {  	_ =	shalt  }
0x77: {  	_ =	shalt  }
0x78: {  	_ =	shalt  }
0x79: {  	_ =	shalt  }
0x7a: {  	_ =	shalt  }
0x7b: {  	_ =	shalt  }
0x7c: {  	_ =	shalt  }
0x7d: {  	_ =	shalt  }
0x7e: {  	_ =	shalt  }
0x7f: {  	_ =	shalt  }
0x80: {  	_ =	shalt  }
0x81: {  	_ =	shalt  }
0x82: {  	_ =	shalt  }
0x83: {  	_ =	shalt  }
0x84: {  	_ =	shalt  }
0x85: {  	_ =	shalt  }
0x86: {  	_ =	shalt  }
0x87: {  	_ =	shalt  }
.Lfunc_end0:
.L_simem_size_0:
called_computation_lowered:
.L_overlay_start_0:
0x88: {  	s2 =	sld [smem:$0x3FD9]  }
0x89: {  	s3 =	sld [smem:$0x3FFE];
	_ =	sdelay $0x1  }
0x8a: {  	s1 =	srdreg.scid  }
0x8b: {  	s0 =	sand.u32 $0x1, s1  }
0x8c: {  	s16 =	sshll.u32 s0, $0xA;
	s2 =	sadd.s32 s3, s2  }
0x8d: {  	s2 =	sadd.s32 s2, s16  }
0x8e: {  	[smem:$0x3FC5] =	sst s2  }
0x8f: {  	_ = 	snop  }
0x90: {  	(tm) =	ssettm $0x1  }
0x91: {  	s17 =	sld [smem:$0x3FFB];
	_ =	sdelay $0x3  }
0x92: {  	_ =	strace s17  }
0x93: {  	s2 =	sld [smem:$0x3FFC];
	_ =	sdelay $0x3  }
0x94: {  	_ =	strace s2  }
0x95: {  	s2 =	sld [smem:$0x3FFD];
	_ =	sdelay $0x3  }
0x96: {  	_ =	strace s2  }
0x97: {  	_ =	strace $0x8FFFFFFF  }
0x98: {  	s18 =	sld [smem:$0x3FDB];
	_ =	sdelay $0x1  }
0x99: {  	s19 =	simm.s32 $_scs_section_size  }
0x9a: {  	s4 =	simm.s32 $_size__tile_overlayer_lowered;
	s5 =	simm.s32 $_tile_overlayer_lowered  }
0x9b: {  	s22 =	simm.s32 $0x1BFF;
	s21 =	sshll.u32 s5, $0x1;
	s2 =	sadd.s32 s19, s18  }
0x9c: {  	s6 =	simm.s32 $0x0;
	s20 =	sshll.u32 s4, $0x1;
	s4 =	sadd.s32 s21, s2  }
0x9d: {  	[timem:s6], [sflag:s22] =	dma.local [hbm:s4], s20  }
0x9e: {  	_ =	swait.ge [sflag:s22], s20  }
0x9f: {  	s3 =	ssub.s32 $0x0, s20;
	[sflag:s22] =	ssyncset.done $0x0  }
0xa0: {  	[sflag:s22] =	ssyncadd.s32 s3;
	_ =	sdelay $0x1  }
0xa1: {  	s23 =	simm.s32 $0x1B8B  }
0xa2: {  	_ =	swait.ge [sflag:s23], $0x1  }
0xa3: {  	[sflag:s23] =	ssyncset.done $0x0  }
0xa4: {  	s25 =	simm.s32 $0x1B8E;
	s24 =	sld [smem:$0x3FFE];
	[sflag:s23] =	ssyncadd.s32 $0xFFFFFFFF  }
0xa5: {  	s26 =	simm.s32 $execute0_lowered;
	[smem:$0x3FD2] =	sst s25  }
0xa6: {  	s4 =	sshll.u32 s26, $0x1;
	_ =	strace $0x80000046;
	[dreg:$0x1] =	wrdreg $0xFFFFFFFF  }
0xa7: {  	s28 =	simm.s32 $_size_execute0_lowered;
	s2 =	sadd.s32 s2, s4;
	[dreg:$0x0] =	wrdreg $0x0  }
0xa8: {  	s4 =	sshll.u32 s28, $0x1;
	[dreg:$0x2] =	wrdreg s2  }
0xa9: {  	[dreg:$0x3] =	wrdreg s4  }
0xaa: {  	[dreg:$0x4] =	wrdreg $0xC0  }
0xab: {  	_ =	task [dreg:s6], $0x5FFFF  }
0xac: {  	[dreg:$0x1] =	wrdreg $0xFFFFFFFF  }
0xad: {  	[dreg:$0x0] =	wrdreg $0x60  }
0xae: {  	[dreg:$0x2] =	wrdreg s24  }
0xaf: {  	[dreg:$0x3] =	wrdreg $0x9  }
0xb0: {  	_ =	task.clear_ibuf [dreg:s6], $0x4FFFF;
	_ =	strace $0x90000046  }
0xb1: {  	s29 =	simm.s32 $0x9;
	_ =	strace $0x8000004C  }
0xb2: {  	_ =	swait.ge [sflag:s29], $0x1  }
0xb3: {  	[sflag:s29] =	ssyncadd.s32 $0xFFFFFFFF  }
0xb4: {  	_ =	strace $0x9000004C  }
0xb5: {  	_ =	sfence  }
0xb6: {  	s30 =	sld [smem:$0x0];
	_ =	sdelay $0x2  }
0xb7: {  	s31 =	sshll.u32 s1, $0xD;
	s1 =	sshrl.u32 s1, $0x2  }
0xb8: {  	s3 =	sand.u32 $0x4000, s31;
	s1 =	sadd.s32 s1, s30  }
0xb9: {  	s0 =	sor.u32 s3, s0;
	s1 =	sshll.u32 s1, $0x11  }
0xba: {  	s0 =	sor.u32 s1, s0  }
0xbb: {  	s0 =	sadd.s32 $0x8F2B, s0  }
0xbc: {  	[sflag:s0] =	ssyncadd.remote.s32 $0x1  }
0xbd: {  	_ =	sfence.sel $0xFFFF  }
0xbe: {  	[dreg:$0x0] =	wrdreg $0xFFFFFFFF;
	(pc) =	sbr.abs _section_cstart, $3  }
0xbf: {  	[dreg:$0x1] =	wrdreg $0xFFFFFFFF  }
0xc0: {  	_ =	task.clear_ibuf [dreg:s6], $0x2FFFF;
	_ =	strace $0x9FFFFFFF  }
0xc1: {  	(tm) =	ssettm $0x7FFFFFFF  }
tec
execute0_lowered:
.L_overlay_start_1:
0x0: {  	(tag) =	ssettag $0x1  }
0x1: {  	s0 =	rddreg [dreg:$0x0];
	s2 =	simm.s32 $0x0;
	s1 =	srdreg.scid  }
0x2: {  	s3 =	stileid.u32;
	s15 =	simm.s32 $0x2;
	s23 =	simm.s32 $0x1F40  }
0x3: {  	s24 =	simm.s32 $0x1;
	s28 =	simm.s32 $0x0;
	[smem:$0x7FF] =	sst s2  }
0x4: {  	s1 =	sand.u32 $0x1, s1;
	s4 =	sshll.u32 s3, $0x1;
	s26 =	sadd.s32 $0x4C00, s0  }
0x5: {  	s9 =	sadd.s32 $0x5000, s0;
	s10 =	sadd.s32 $0x5400, s0;
	s11 =	sadd.s32 $0x5800, s0  }
0x6: {  	_ =	strace $0x80000047;
	[dreg:$0x2] =	wrdreg s26;
	s4 =	sor.u32 s1, s4  }
0x7: {  	v0 =	vlaneseq.u32;
	s1 =	ssub.s32 $0x2, s1;
	s5 =	sshll.u32 s4, $0x9;
	s4 =	sshll.u32 s4, $0x5  }
0x8: {  	vm0 =	vcmask $0x300;
	vm1 =	vcmask $0x704;
	vm2 =	vcmask $0xB08;
	s6 =	sshrl.u32 s1, $0x1;
	s5 =	sadd.s32 s5, s0;
	s7 =	sadd.s32 s4, s0  }
0x9: {  	vm3 =	vcmask $0xF0C;
	vm4 =	vcmask $0x1310;
	vm5 =	vcmask $0x1714;
	s1 =	ssub.s32 s1, s6;
	s4 =	sadd.s32 $0x4C80, s0;
	s29 =	sadd.s32 $0xC00, s5  }
0xa: {  	vm6 =	vcmask $0x1B18;
	vm7 =	vcmask $0x1F1C;
	vm8 =	vcmask $0x2320;
	s30 =	sadd.s32 $0x5C00, s7;
	s31 =	sadd.s32 $0x5C10, s7;
	[dreg:$0x3] =	wrdreg s29  }
0xb: {  	vm9 =	vcmask $0x2724;
	vm10 =	vcmask $0x2B28;
	vm11 =	vcmask $0x2F2C;
	s8 =	smax.u32 s1, $0x1;
	s17 =	sadd.s32 $0x400, s4;
	[dreg:$0x4] =	wrdreg s30  }
0xc: {  	vm12 =	vcmask $0x3330;
	vm13 =	vcmask $0x3734;
	vm14 =	vcmask $0x3B38;
	s19 =	sadd.s32 $0x800, s4;
	s21 =	sadd.s32 $0xC00, s4;
	[dreg:$0x5] =	wrdreg s31  }
.LBB2_1:
0xd: {  	_ =	strace $0x80000048  }
0xe: {  	s0 =	rddreg [dreg:$0x2]  }
0xf: {  	[tilespmem:s2], [sflag:$0x2] =	stream.linear.gather [hbm4b:s0+s2], $0x400, $0x200038;
	[tilespmem:$0x9100] =	vst v63  }
0x10: {  	s13 =	simm.s32 $0x2000  }
0x11: {  	[tilespmem:s13], [sflag:$0x2] =	stream.linear.gather [hbm4b:s9+s2], $0x400, $0x200038;
	[tilespmem:$0x9100] =	vst v63  }
0x12: {  	s14 =	simm.s32 $0x4000  }
0x13: {  	[tilespmem:s14], [sflag:$0x2] =	stream.linear.gather [hbm4b:s10+s2], $0x400, $0x200038;
	[tilespmem:$0x9100] =	vst v63  }
0x14: {  	s16 =	simm.s32 $0x6000  }
0x15: {  	[tilespmem:s16], [sflag:$0x2] =	stream.linear.gather [hbm4b:s11+s2], $0x400, $0x200038;
	[tilespmem:$0x9100] =	vst v63  }
0x16: {  	_ =	swait.ge [sflag:s15], $0x1000  }
0x17: {  	[sflag:s15] =	ssyncset.done $0x0  }
0x18: {  	s18 =	simm.s32 $0x400;
	[sflag:s15] =	ssyncadd.s32 $0xFFFFF000  }
0x19: {  	[tilespmem:s18], [sflag:$0x1] =	stream.linear.gather [hbm4b:s4+s2], $0x1C00, $0x200038;
	[tilespmem:$0x9100] =	vst v63  }
0x1a: {  	s20 =	simm.s32 $0x2400  }
0x1b: {  	[tilespmem:s20], [sflag:$0x1] =	stream.linear.gather [hbm4b:s17+s2], $0x1C00, $0x200038;
	[tilespmem:$0x9100] =	vst v63  }
0x1c: {  	s22 =	simm.s32 $0x4400  }
0x1d: {  	[tilespmem:s22], [sflag:$0x1] =	stream.linear.gather [hbm4b:s19+s2], $0x1C00, $0x200038;
	[tilespmem:$0x9100] =	vst v63  }
0x1e: {  	s25 =	simm.s32 $0x6400  }
0x1f: {  	[tilespmem:s25], [sflag:$0x1] =	stream.linear.gather [hbm4b:s21+s2], $0x1C00, $0x200038;
	[tilespmem:$0x9100] =	vst v63  }
0x20: {  	s26 =	simm.s32 $0x8000;
	s1 =	rddreg [dreg:$0x3]  }
0x21: {  	[tilespmem:s26], [sflag:$0x2] =	stream.linear.gather [hbm4b:s1+s2], $0x1000, $0x200038;
	[tilespmem:$0x9100] =	vst v63  }
0x22: {  	_ =	swait.ge [sflag:s15], $0x1000  }
0x23: {  	[sflag:s15] =	ssyncset.done $0x0  }
0x24: {  	[sflag:s15] =	ssyncadd.s32 $0xFFFFF000  }
0x25: {  	_ =	strace $0x90000048  }
0x26: {  	_ =	strace $0x80000049  }
0x27: {  	v1 =	vld [tilespmem:s26+$0x0];
	_ =	sdelay $0x4  }
0x28: {  	(v2sf) =	vpush v1, $0x0  }
0x29: {  	(v2sf) =	vpush v1, $0x2  }
0x2a: {  	(v2sf) =	vpush v1, $0x1  }
0x2b: {  	(v2sf) =	vpush v1, $0x3;
	_ =	sdelay $0x2  }
0x2c: {  	s30 =	simm.s32 $0x0  }
0x2d: {  	s31 =	simm.s32 $0x1;
	s29 =	simm.s32 $0x8080;
	[smem:$0x100] =	sst s23  }
0x2e: {  	s12 =	simm.s32 $0x104;
	s0 =	simm.s32 $0x7;
	[smem:s2] =	sst s30  }
0x2f: {  	s13 =	simm.s32 $0x104;
	s14 =	simm.s32 $0x2;
	[smem:$0x101] =	sst s23  }
0x30: {  	s16 =	simm.s32 $0xF;
	s1 =	simm.s32 $0x0;
	[smem:$0x1] =	sst s31  }
.LBB2_2:
0x31: {  	s18 =	sadd.s32 $0xFFFFFFFB, s16  }
0x32: {  	v1 =	vld [tilespmem:s29+$0x0];
	[smem:s13+$0xFFFFFFFE] =	sst s23;
	s20 =	smov.u32 s16;
	s22 =	sadd.s32 $0x8, s16  }
0x33: {  	p0 =	sne.s32 s16, $0xFF;
	[smem:s1+$0x2] =	sst s14;
	s14 =	smov.u32 s18  }
0x34: {  	s16 =	sadd.s32 $0xFFFFFFFC, s0;
	[smem:s13+$0xFFFFFFFF] =	sst s23  }
0x35: {  	[smem:s1+$0x3] =	sst s16;
	s16 =	spop (v2sf)  }
0x36: {  	s18 =	sadd.s32 $0xFFFFFFFD, s0;
	[smem:s13] =	sst s23;
	s30 =	spop (v2sf)  }
0x37: {  	(v2sf) =	vpush v1, $0x0;
	[smem:s1+$0x4] =	sst s18;
	s18 =	sadd.s32 $0xFFFFFFFF, s0;
	s31 =	spop (v2sf)  }
0x38: {  	s25 =	sadd.s32 $0xFFFFFFFE, s0;
	(v2sf) =	vpush v1, $0x2;
	[smem:s13+$0x1] =	sst s23;
	s26 =	spop (v2sf)  }
0x39: {  	s13 =	sadd.s32 $0x8, s13;
	(v2sf) =	vpush v1, $0x1;
	p1 =	sgt.f32 s26, s31;
	[smem:s1+$0x5] =	sst s25  }
0x3a: {  	p2 =	sgt.f32 s30, s16;
	s16 =	simm.s32 $0x8;
	(v2sf) =	vpush v1, $0x3;
	[smem:s12+$0x2] =	sst s23  }
0x3b: {  	[smem:s1+$0x6] =	sst s18;
	s16 =	simm.s32 @!p1 $0x0  }
0x3c: {  	[smem:s12+$0x3] =	sst s23;
	s16 =	simm.s32 @!p2 $0x0;
	s12 =	smov.u32 s13  }
0x3d: {  	[smem:s1+$0x7] =	sst s0;
	s1 =	sadd.s32 s1, s16;
	s0 =	smov.u32 s20  }
.Ltmp0:
0x3e: {  	[smem:s13+$0xFFFFFFFC] =	sst s23;
	(pc) =	sbr.rel @p0 .LBB2_2-.Ltmp0, $4  }
0x3f: {  	s16 =	sadd.s32 $0xFFFFFFF9, s0  }
0x40: {  	[smem:s1] =	sst s16  }
0x41: {  	s16 =	sadd.s32 $0xFFFFFFFA, s0;
	[smem:s13+$0xFFFFFFFD] =	sst s23  }
0x42: {  	s29 =	sadd.s32 $0x80, s29;
	[smem:s1+$0x1] =	sst s16;
	s16 =	smov.u32 s22  }
0x43: {  	[smem:s13+$0xFFFFFFFE] =	sst s23  }
0x44: {  	[smem:s1+$0x2] =	sst s14  }
0x45: {  	s22 =	sadd.s32 $0xFFFFFFFC, s0;
	[smem:s13+$0xFFFFFFFF] =	sst s23  }
0x46: {  	[smem:s1+$0x3] =	sst s22  }
0x47: {  	s25 =	sadd.s32 $0xFFFFFFFD, s0;
	s16 =	spop (v2sf);
	[smem:s13] =	sst s23  }
0x48: {  	s26 =	spop (v2sf);
	[smem:s1+$0x4] =	sst s25  }
0x49: {  	s18 =	sadd.s32 $0xFFFFFFFE, s0;
	s30 =	spop (v2sf);
	[smem:s13+$0x1] =	sst s23  }
0x4a: {  	s20 =	spop (v2sf);
	[smem:s1+$0x5] =	sst s18  }
0x4b: {  	s31 =	sadd.s32 $0xFFFFFFFF, s0;
	p0 =	sgt.f32 s20, s30;
	[smem:s12+$0x2] =	sst s23  }
.Ltmp1:
0x4c: {  	[smem:s1+$0x6] =	sst s31;
	(pc) =	sbr.rel .LBB2_4-.Ltmp1, $4  }
0x4d: {  	p1 =	sgt.f32 s26, s16;
	s13 =	simm.s32 $0x8;
	[smem:s12+$0x3] =	sst s23  }
0x4e: {  	s13 =	simm.s32 @!p0 $0x0;
	[smem:s1+$0x7] =	sst s0  }
0x4f: {  	s13 =	simm.s32 @!p1 $0x0;
	_ =	strace $0x90000049  }
0x50: {  	s29 =	simm.s32 $0x0;
	s1 =	sadd.s32 s1, s13;
	_ =	strace $0x8000004A  }
.LBB2_7:
0x51: {  	s3 =	spop (v2sf)  }
0x52: {  	s5 =	spop (v2sf)  }
0x53: {  	s6 =	spop (v2sf)  }
0x54: {  	s12 =	spop (v2sf)  }
0x55: {  	s14 =	spop (v2sf)  }
0x56: {  	s25 =	spop (v2sf)  }
0x57: {  	s26 =	spop (v2sf)  }
0x58: {  	s7 =	spop (v2sf)  }
0x59: {  	s12 =	smin.u32 s12, s20;
	s20 =	spop (v2sf)  }
0x5a: {  	s12 =	smin.u32 s12, s22;
	s18 =	smin.u32 s25, s18;
	s25 =	spop (v2sf)  }
0x5b: {  	s3 =	smin.u32 s3, s7;
	s7 =	smin.u32 s26, s14;
	s26 =	spop (v2sf)  }
0x5c: {  	s5 =	smin.u32 s20, s5;
	s25 =	smin.u32 s25, s16;
	s6 =	smin.u32 s6, s26  }
0x5d: {  	s3 =	smin.u32 s3, s5;
	s26 =	smin.u32 s7, s18;
	s6 =	smin.u32 s6, s25  }
0x5e: {  	s5 =	smin.u32 s26, s12;
	s3 =	smin.u32 s6, s3  }
0x5f: {  	s31 =	sadd.s32 s31, s13;
	s3 =	smin.u32 s3, s5  }
0x60: {  	p0 =	slt.u32 s3, $0x10;
	s5 =	sadd.s32 s3, s31  }
0x61: {  	p1 =	sgt.u32 s3, $0xF;
	s3 =	simm.s32 $0x1;
	s5 =	simm.s32 @!p0 $0x1F40  }
0x62: {  	s3 =	simm.s32 @!p1 $0x0;
	[smem:s30+$0x100] =	sst s5  }
0x63: {  	vm0 =	vcmask $0x300;
	s12 =	sadd.s32 s3, s0;
	[smem:s1] =	sst s30  }
.LBB2_8:
0x64: {  	s29 =	sadd.s32 $0x1, s29  }
0x65: {  	p0 =	sne.s32 s29, $0x8  }
.Ltmp2:
0x66: {  	_ = 	snop;
	(pc) =	sbr.rel @!p0 .LBB2_9-.Ltmp2, $2  }
0x67: {  	_ =	sdelay $0x2  }
0x68: {  	s1 =	smov.u32 s12  }
.LBB2_4:
0x69: {  	p0 =	slt.s32 s1, $0x1  }
.Ltmp3:
0x6a: {  	_ = 	snop;
	(pc) =	sbr.rel @p0 .LBB2_8-.Ltmp3, $2  }
0x6b: {  	_ =	sdelay $0x2  }
0x6c: {  	s12 =	simm.s32 $0x0  }
0x6d: {  	s31 =	sshll.u32 s29, $0x4;
	s30 =	sld [smem:$0x0]  }
0x6e: {  	s0 =	sadd.s32 $0x2000, s31;
	v4 =	vmov s31  }
0x6f: {  	s22 =	sadd.s32 $0x6000, s31;
	v1 =	vmov s0  }
0x70: {  	s12 =	sadd.s32 $0x4000, s31;
	v2 =	vmov s22;
	s25 =	sshll.u32 s30, $0x4  }
0x71: {  	v3 =	vmov s12;
	s13 =	sand.u32 $0x7, s30;
	s0 =	sand.u32 $0xFFFFFF80, s25  }
0x72: {  	s26 =	sshll.u32 s13, $0x7;
	v6 =	vld [tilespmem:s0+$0x8000]  }
0x73: {  	v9 =	vld.idx.msk [tilespmem:v4+s26+$0x0 ss:$0x1], $0xffff  }
0x74: {  	v5 =	vld.idx.msk [tilespmem:v1+s26+$0x0 ss:$0x1], $0xffff  }
0x75: {  	v7 =	vld.idx.msk [tilespmem:v2+s26+$0x0 ss:$0x1], $0xffff  }
0x76: {  	v8 =	vld.idx.msk [tilespmem:v3+s26+$0x0 ss:$0x1], $0xffff;
	_ =	sdelay $0x1  }
0x77: {  	v10 =	vbroadcast v6, $0x0;
	v11 =	vbroadcast v6, $0x1  }
0x78: {  	v12 =	vbroadcast v6, $0x2;
	v6 =	vbroadcast v6, $0x3  }
0x79: {  	v5 =	vmax.f32 v11, v5  }
0x7a: {  	v8 =	vmin.f32 v12, v8;
	v9 =	vmax.f32 v10, v9;
	v6 =	vmin.f32 v6, v7  }
0x7b: {  	vm15 =	vgt.f32 v8, v9;
	vm0 =	vgt.f32 v6, v5  }
0x7c: {  	vm0 =	vmand vm15, vm0  }
0x7d: {  	v5 =	vnsel vm0, $0x10, v0  }
0x7e: {  	(v2sf) =	vpush v5, $0xF  }
0x7f: {  	(v2sf) =	vpush v5, $0xB  }
0x80: {  	(v2sf) =	vpush v5, $0xD  }
0x81: {  	(v2sf) =	vpush v5, $0xE;
	_ =	sdelay $0x4  }
0x82: {  	(v2sf) =	vpush v5, $0x3  }
0x83: {  	(v2sf) =	vpush v5, $0x4  }
0x84: {  	(v2sf) =	vpush v5, $0x7  }
0x85: {  	(v2sf) =	vpush v5, $0x0  }
0x86: {  	(v2sf) =	vpush v5, $0xC  }
0x87: {  	(v2sf) =	vpush v5, $0x9  }
0x88: {  	(v2sf) =	vpush v5, $0xA  }
0x89: {  	(v2sf) =	vpush v5, $0x8;
	s14 =	spop (v2sf)  }
0x8a: {  	s18 =	spop (v2sf);
	(v2sf) =	vpush v5, $0x5  }
0x8b: {  	s20 =	spop (v2sf);
	(v2sf) =	vpush v5, $0x6  }
0x8c: {  	p0 =	sne.s32 s1, $0x1;
	s16 =	spop (v2sf);
	(v2sf) =	vpush v5, $0x2  }
.Ltmp4:
0x8d: {  	(v2sf) =	vpush v5, $0x1;
	(pc) =	sbr.rel @!p0 .LBB2_7-.Ltmp4, $4  }
0x8e: {  	_ = 	snop  }
0x8f: {  	s12 =	sadd.s32 $0xFFFFFFFF, s1  }
0x90: {  	s1 =	simm.s32 $0x0;
	s13 =	smul.u32 $0x3E8, s13;
	s0 =	simm.s32 $0x0  }
0x91: {  	s22 =	smin.u32 s16, s14;
	s16 =	spop (v2sf);
	s14 =	simm.s32 $0x0  }
.LBB2_6:
0x92: {  	p0 =	sne.s32 s12, $0x1;
	s14 =	sadd.s32 $0x1, s14;
	s25 =	spop (v2sf)  }
0x93: {  	s12 =	sadd.s32 $0xFFFFFFFF, s12;
	s26 =	spop (v2sf)  }
0x94: {  	s3 =	spop (v2sf)  }
0x95: {  	s5 =	spop (v2sf)  }
0x96: {  	s5 =	smin.u32 s5, s20;
	s20 =	spop (v2sf)  }
0x97: {  	s6 =	spop (v2sf)  }
0x98: {  	s6 =	smin.u32 s6, s18;
	s18 =	spop (v2sf)  }
0x99: {  	s5 =	smin.u32 s5, s22;
	s22 =	spop (v2sf)  }
0x9a: {  	s18 =	smin.u32 s18, s20;
	s22 =	smin.u32 s25, s22;
	s20 =	spop (v2sf)  }
0x9b: {  	s20 =	smin.u32 s20, s26;
	s25 =	spop (v2sf)  }
0x9c: {  	s6 =	smin.u32 s18, s6;
	s18 =	spop (v2sf)  }
0x9d: {  	s20 =	smin.u32 s22, s20;
	s16 =	smin.u32 s25, s16;
	s3 =	smin.u32 s3, s18  }
0x9e: {  	s5 =	smin.u32 s6, s5;
	s3 =	smin.u32 s3, s16  }
0x9f: {  	s3 =	smin.u32 s3, s20  }
0xa0: {  	s6 =	sadd.s32 s31, s13;
	s3 =	smin.u32 s3, s5  }
0xa1: {  	p1 =	slt.u32 s3, $0x10  }
0xa2: {  	s5 =	sadd.s32 s3, s6;
	p2 =	sgt.u32 s3, $0xF;
	s3 =	simm.s32 $0x1  }
0xa3: {  	s5 =	simm.s32 @!p1 $0x1F40;
	s3 =	simm.s32 @!p2 $0x0  }
0xa4: {  	[smem:s30+$0x100] =	sst s5;
	s0 =	sadd.s32 s3, s0  }
0xa5: {  	[smem:s1] =	sst s30;
	s1 =	smov.u32 s0  }
0xa6: {  	s30 =	sld [smem:s14+$0x0];
	_ =	sdelay $0x2  }
0xa7: {  	s3 =	sand.u32 $0x7, s30;
	s5 =	sshll.u32 s30, $0x4  }
0xa8: {  	s5 =	sand.u32 $0xFFFFFF80, s5;
	s6 =	sshll.u32 s3, $0x7;
	s13 =	smul.u32 $0x3E8, s3  }
0xa9: {  	v5 =	vld.idx.msk [tilespmem:v1+s6+$0x0 ss:$0x1], $0xffff  }
0xaa: {  	v6 =	vld.idx.msk [tilespmem:v2+s6+$0x0 ss:$0x1], $0xffff  }
0xab: {  	v7 =	vld [tilespmem:s5+$0x8000]  }
0xac: {  	v8 =	vld.idx.msk [tilespmem:v3+s6+$0x0 ss:$0x1], $0xffff  }
0xad: {  	v9 =	vld.idx.msk [tilespmem:v4+s6+$0x0 ss:$0x1], $0xffff;
	_ =	sdelay $0x2  }
0xae: {  	v10 =	vbroadcast v7, $0x0;
	v11 =	vbroadcast v7, $0x1  }
0xaf: {  	v12 =	vbroadcast v7, $0x2;
	v7 =	vbroadcast v7, $0x3  }
0xb0: {  	v5 =	vmax.f32 v11, v5  }
0xb1: {  	v8 =	vmin.f32 v12, v8;
	v9 =	vmax.f32 v10, v9;
	v6 =	vmin.f32 v7, v6  }
0xb2: {  	vm0 =	vgt.f32 v8, v9;
	vm15 =	vgt.f32 v6, v5  }
0xb3: {  	vm0 =	vmand vm0, vm15  }
0xb4: {  	v5 =	vnsel vm0, $0x10, v0  }
0xb5: {  	(v2sf) =	vpush v5, $0xF  }
0xb6: {  	(v2sf) =	vpush v5, $0xB  }
0xb7: {  	(v2sf) =	vpush v5, $0xD  }
0xb8: {  	(v2sf) =	vpush v5, $0xE  }
0xb9: {  	(v2sf) =	vpush v5, $0x3  }
0xba: {  	(v2sf) =	vpush v5, $0x4  }
0xbb: {  	(v2sf) =	vpush v5, $0x7  }
0xbc: {  	(v2sf) =	vpush v5, $0x0  }
0xbd: {  	(v2sf) =	vpush v5, $0xC  }
0xbe: {  	(v2sf) =	vpush v5, $0x9  }
0xbf: {  	(v2sf) =	vpush v5, $0xA  }
0xc0: {  	(v2sf) =	vpush v5, $0x8  }
0xc1: {  	(v2sf) =	vpush v5, $0x5  }
0xc2: {  	(v2sf) =	vpush v5, $0x6  }
0xc3: {  	(v2sf) =	vpush v5, $0x2  }
.Ltmp5:
0xc4: {  	(v2sf) =	vpush v5, $0x1;
	s3 =	spop (v2sf);
	(pc) =	sbr.rel @p0 .LBB2_6-.Ltmp5, $4  }
0xc5: {  	s18 =	spop (v2sf)  }
0xc6: {  	s20 =	spop (v2sf)  }
0xc7: {  	s5 =	spop (v2sf)  }
0xc8: {  	s22 =	smin.u32 s5, s3;
	s16 =	spop (v2sf)  }
.Ltmp6:
0xc9: {  	_ = 	snop;
	(pc) =	sbr.rel .LBB2_7-.Ltmp6, $1  }
0xca: {  	_ =	sdelay $0x3  }
.LBB2_9:
0xcb: {  	p0 =	slt.s32 s12, $0x1  }
.Ltmp7:
0xcc: {  	_ = 	snop;
	(pc) =	sbr.rel @!p0 .LBB2_10-.Ltmp7, $4  }
0xcd: {  	_ = 	snop  }
0xce: {  	_ =	swait.ge [sflag:s24], $0x7000  }
0xcf: {  	[sflag:s24] =	ssyncset.done $0x0  }
0xd0: {  	s29 =	simm.s32 $0x8;
	[sflag:s24] =	ssyncadd.s32 $0xFFFF9000  }
.LBB2_16:
0xd1: {  	_ =	strace $0x9000004A  }
0xd2: {  	_ =	strace $0x8000004B  }
0xd3: {  	s0 =	sld [smem:$0x10F]  }
0xd4: {  	s1 =	sld [smem:$0x100]  }
0xd5: {  	s3 =	sld [smem:$0x101]  }
0xd6: {  	s5 =	sld [smem:$0x102];
	v1 =	vmov s0  }
0xd7: {  	s16 =	sld [smem:$0x103];
	v1 =	vsel vm0, s1, v1  }
0xd8: {  	s18 =	sld [smem:$0x104];
	v1 =	vsel vm1, s3, v1  }
0xd9: {  	s20 =	sld [smem:$0x105];
	v1 =	vsel vm2, s5, v1  }
0xda: {  	s22 =	sld [smem:$0x106];
	v1 =	vsel vm3, s16, v1  }
0xdb: {  	s25 =	sld [smem:$0x107];
	v1 =	vsel vm4, s18, v1  }
0xdc: {  	s26 =	sld [smem:$0x108];
	v1 =	vsel vm5, s20, v1  }
0xdd: {  	s30 =	sld [smem:$0x109];
	v1 =	vsel vm6, s22, v1  }
0xde: {  	s31 =	sld [smem:$0x10A];
	v1 =	vsel vm7, s25, v1  }
0xdf: {  	s6 =	sld [smem:$0x10B];
	v1 =	vsel vm8, s26, v1  }
0xe0: {  	s13 =	simm.s32 $0x0;
	s18 =	sld [smem:$0x10C];
	v1 =	vsel vm9, s30, v1  }
0xe1: {  	s14 =	simm.s32 $0x80;
	s12 =	simm.s32 $0x0;
	s29 =	sld [smem:$0x10D];
	v1 =	vsel vm10, s31, v1  }
0xe2: {  	s0 =	simm.s32 $0x40;
	s1 =	simm.s32 $0x10;
	s16 =	sld [smem:$0x10E];
	v1 =	vsel vm11, s6, v1  }
.LBB2_17:
0xe3: {  	p0 =	sne.s32 s14, $0x3C0;
	s3 =	sld [smem:s1+$0x10F];
	v1 =	vsel vm12, s18, v1;
	s5 =	sand.u32 $0x200, s13  }
0xe4: {  	s7 =	sand.u32 $0x70, s12;
	s6 =	sld [smem:s1+$0x100];
	v1 =	vsel vm13, s29, v1;
	s5 =	sshrl.u32 s5, $0x2  }
0xe5: {  	s13 =	smov.u32 s0;
	s18 =	sld [smem:s1+$0x101];
	v1 =	vsel vm14, s16, v1;
	s5 =	sor.u32 s7, s5  }
0xe6: {  	s0 =	smov.u32 s14;
	s7 =	sld [smem:s1+$0x102];
	v2 =	vmov s3;
	[tilespmem:s5+$0x9000] =	vst v1  }
0xe7: {  	s3 =	sld [smem:s1+$0x103];
	v1 =	vsel vm0, s6, v2  }
0xe8: {  	s5 =	sld [smem:s1+$0x104];
	v1 =	vsel vm1, s18, v1  }
0xe9: {  	s6 =	sld [smem:s1+$0x105];
	v1 =	vsel vm2, s7, v1  }
0xea: {  	s7 =	sld [smem:s1+$0x106];
	v1 =	vsel vm3, s3, v1  }
0xeb: {  	s3 =	sld [smem:s1+$0x107];
	v1 =	vsel vm4, s5, v1  }
0xec: {  	s5 =	sld [smem:s1+$0x108];
	v1 =	vsel vm5, s6, v1  }
0xed: {  	s6 =	sld [smem:s1+$0x109];
	v1 =	vsel vm6, s7, v1  }
.Ltmp8:
0xee: {  	s7 =	sld [smem:s1+$0x10A];
	v1 =	vsel vm7, s3, v1;
	(pc) =	sbr.rel @p0 .LBB2_17-.Ltmp8, $4  }
0xef: {  	s3 =	sld [smem:s1+$0x10B];
	v1 =	vsel vm8, s5, v1  }
0xf0: {  	s18 =	sld [smem:s1+$0x10C];
	v1 =	vsel vm9, s6, v1  }
0xf1: {  	s12 =	sadd.s32 $0x10, s12;
	s29 =	sld [smem:s1+$0x10D];
	v1 =	vsel vm10, s7, v1  }
0xf2: {  	s14 =	sadd.s32 $0x40, s14;
	s16 =	sld [smem:s1+$0x10E];
	s1 =	sshra.s32 s0, $0x2;
	v1 =	vsel vm11, s3, v1  }
0xf3: {  	s3 =	sld [smem:s1+$0x10F]  }
0xf4: {  	s5 =	sld [smem:s1+$0x100]  }
0xf5: {  	s6 =	sld [smem:s1+$0x101]  }
0xf6: {  	s26 =	sld [smem:s1+$0x102];
	v2 =	vmov s3  }
0xf7: {  	s30 =	sld [smem:s1+$0x103];
	v2 =	vsel vm0, s5, v2  }
0xf8: {  	s31 =	sld [smem:s1+$0x104];
	v2 =	vsel vm1, s6, v2  }
0xf9: {  	s7 =	sld [smem:s1+$0x105];
	v2 =	vsel vm2, s26, v2  }
0xfa: {  	s14 =	sld [smem:s1+$0x106];
	v2 =	vsel vm3, s30, v2  }
0xfb: {  	s20 =	sld [smem:s1+$0x107];
	v2 =	vsel vm4, s31, v2  }
0xfc: {  	s22 =	sld [smem:s1+$0x108];
	v2 =	vsel vm5, s7, v2  }
0xfd: {  	s25 =	sld [smem:s1+$0x109];
	v2 =	vsel vm6, s14, v2  }
0xfe: {  	s26 =	sld [smem:s1+$0x10A];
	v2 =	vsel vm7, s20, v2  }
0xff: {  	s30 =	sld [smem:s1+$0x10B];
	v2 =	vsel vm8, s22, v2  }
0x100: {  	s31 =	sld [smem:s1+$0x10C];
	v2 =	vsel vm9, s25, v2  }
0x101: {  	s14 =	sld [smem:s1+$0x10D];
	v2 =	vsel vm10, s26, v2  }
0x102: {  	v1 =	vsel vm12, s18, v1;
	s18 =	sand.u32 $0x70, s12;
	s7 =	sand.u32 $0x200, s13;
	s20 =	sld [smem:s1+$0x10E];
	v2 =	vsel vm11, s30, v2  }
0x103: {  	s0 =	sand.u32 $0x200, s0;
	v1 =	vsel vm13, s29, v1;
	s7 =	sshrl.u32 s7, $0x2;
	s22 =	sadd.s32 $0x10, s12;
	v2 =	vsel vm12, s31, v2  }
0x104: {  	s0 =	sshrl.u32 s0, $0x2;
	v1 =	vsel vm14, s16, v1;
	s3 =	sor.u32 s18, s7;
	s25 =	sand.u32 $0x70, s22;
	v2 =	vsel vm13, s14, v2  }
0x105: {  	[tilespmem:s3+$0x9000] =	vst v1;
	s0 =	sor.u32 s25, s0;
	v1 =	vsel vm14, s20, v2  }
0x106: {  	[tilespmem:s0+$0x9000] =	vst v1  }
0x107: {  	_ =	strace $0x9000004B  }
0x108: {  	s29 =	simm.s32 $0x9000;
	s26 =	rddreg [dreg:$0x4]  }
0x109: {  	[hbm4b:s26+s2] =	stream.linear.scatter [tilespmem:s29], [sflag:$0x2], $0x80, $0x38;
	[tilespmem:$0x9100] =	vst v63  }
0x10a: {  	s28 =	sadd.s32 $0x1, s28;
	_ =	swait.ge [sflag:s15], $0x80  }
0x10b: {  	p0 =	sne.s32 s28, s8;
	[sflag:s15] =	ssyncset.done $0x0  }
0x10c: {  	s31 =	simm.s32 $0x9080;
	s30 =	rddreg [dreg:$0x5];
	[sflag:s15] =	ssyncadd.s32 $0xFFFFFF80  }
0x10d: {  	[hbm4b:s30+s2] =	stream.linear.scatter [tilespmem:s31], [sflag:$0x2], $0x80, $0x38;
	[tilespmem:$0x9100] =	vst v63  }
.Ltmp9:
0x10e: {  	_ = 	snop;
	(pc) =	sbr.rel @p0 .LBB2_1-.Ltmp9, $4  }
.Ltmp10:
0x10f: {  	_ = 	snop;
	(pc) =	sbr.rel @!p0 .LBB2_19-.Ltmp10, $4  }
0x110: {  	_ =	swait.ge [sflag:s15], $0x80  }
0x111: {  	[sflag:s15] =	ssyncset.done $0x0  }
0x112: {  	[sflag:s15] =	ssyncadd.s32 $0xFFFFFF80  }
0x113: {  	_ = 	snop  }
.LBB2_11:
0x114: {  	s12 =	simm.s32 $0x0  }
.LBB2_15:
0x115: {  	s29 =	sadd.s32 $0x1, s29  }
0x116: {  	p0 =	sne.s32 s29, $0x3F  }
.Ltmp11:
0x117: {  	_ = 	snop;
	(pc) =	sbr.rel @!p0 .LBB2_16-.Ltmp11, $1  }
0x118: {  	_ =	sdelay $0x3  }
.LBB2_10:
0x119: {  	p0 =	slt.s32 s12, $0x1  }
.Ltmp12:
0x11a: {  	_ = 	snop;
	(pc) =	sbr.rel @p0 .LBB2_11-.Ltmp12, $1  }
0x11b: {  	_ =	sdelay $0x3  }
0x11c: {  	s30 =	sshll.u32 s29, $0x4;
	s0 =	sshll.u32 s29, $0x7  }
0x11d: {  	s1 =	sand.u32 $0x70, s30;
	s0 =	sand.u32 $0xFFFFFC00, s0  }
0x11e: {  	s31 =	sld [smem:$0x0];
	s0 =	sor.u32 s1, s0  }
0x11f: {  	s1 =	sadd.s32 $0x2000, s0;
	v4 =	vmov s0  }
0x120: {  	s14 =	sadd.s32 $0x6000, s0;
	v1 =	vmov s1  }
0x121: {  	s3 =	sadd.s32 $0x4000, s0;
	s22 =	sshll.u32 s31, $0x4;
	v2 =	vmov s14  }
0x122: {  	s16 =	sand.u32 $0x7, s31;
	v3 =	vmov s3;
	s0 =	sand.u32 $0xFFFFFF80, s22  }
0x123: {  	s25 =	sshll.u32 s16, $0x7;
	v6 =	vld [tilespmem:s0+$0x8000]  }
0x124: {  	v9 =	vld.idx.msk [tilespmem:v4+s25+$0x0 ss:$0x1], $0xffff  }
0x125: {  	v5 =	vld.idx.msk [tilespmem:v1+s25+$0x0 ss:$0x1], $0xffff  }
0x126: {  	v7 =	vld.idx.msk [tilespmem:v2+s25+$0x0 ss:$0x1], $0xffff  }
0x127: {  	v8 =	vld.idx.msk [tilespmem:v3+s25+$0x0 ss:$0x1], $0xffff;
	_ =	sdelay $0x1  }
0x128: {  	v10 =	vbroadcast v6, $0x0;
	v11 =	vbroadcast v6, $0x1  }
0x129: {  	v12 =	vbroadcast v6, $0x2;
	v6 =	vbroadcast v6, $0x3  }
0x12a: {  	v9 =	vmax.f32 v10, v9  }
0x12b: {  	v5 =	vmax.f32 v11, v5;
	v8 =	vmin.f32 v12, v8;
	v6 =	vmin.f32 v6, v7  }
0x12c: {  	vm0 =	vgt.f32 v8, v9;
	vm15 =	vgt.f32 v6, v5  }
0x12d: {  	vm0 =	vmand vm0, vm15  }
0x12e: {  	v5 =	vnsel vm0, $0x10, v0  }
0x12f: {  	(v2sf) =	vpush v5, $0xF  }
0x130: {  	(v2sf) =	vpush v5, $0xB  }
0x131: {  	(v2sf) =	vpush v5, $0xD  }
0x132: {  	(v2sf) =	vpush v5, $0xE;
	_ =	sdelay $0x4  }
0x133: {  	(v2sf) =	vpush v5, $0x3  }
0x134: {  	(v2sf) =	vpush v5, $0x4  }
0x135: {  	(v2sf) =	vpush v5, $0x7  }
0x136: {  	(v2sf) =	vpush v5, $0x0  }
0x137: {  	(v2sf) =	vpush v5, $0xC  }
0x138: {  	(v2sf) =	vpush v5, $0x9  }
0x139: {  	(v2sf) =	vpush v5, $0xA  }
0x13a: {  	(v2sf) =	vpush v5, $0x8;
	s26 =	spop (v2sf)  }
0x13b: {  	s18 =	spop (v2sf);
	(v2sf) =	vpush v5, $0x5  }
0x13c: {  	s20 =	spop (v2sf);
	(v2sf) =	vpush v5, $0x6  }
0x13d: {  	p0 =	sne.s32 s12, $0x1;
	s5 =	spop (v2sf);
	(v2sf) =	vpush v5, $0x2  }
.Ltmp13:
0x13e: {  	(v2sf) =	vpush v5, $0x1;
	(pc) =	sbr.rel @!p0 .LBB2_14-.Ltmp13, $4  }
0x13f: {  	_ = 	snop  }
0x140: {  	s12 =	sadd.s32 $0xFFFFFFFF, s12  }
0x141: {  	s13 =	smul.u32 $0x3E8, s16;
	s14 =	simm.s32 $0x0;
	s1 =	simm.s32 $0x0  }
0x142: {  	s0 =	simm.s32 $0x0;
	s22 =	smin.u32 s5, s26;
	s16 =	spop (v2sf)  }
.LBB2_13:
0x143: {  	p0 =	sne.s32 s12, $0x1;
	s14 =	sadd.s32 $0x1, s14;
	s3 =	spop (v2sf)  }
0x144: {  	s12 =	sadd.s32 $0xFFFFFFFF, s12;
	s5 =	spop (v2sf)  }
0x145: {  	s6 =	spop (v2sf)  }
0x146: {  	s7 =	spop (v2sf)  }
0x147: {  	s7 =	smin.u32 s7, s20;
	s20 =	spop (v2sf)  }
0x148: {  	s25 =	spop (v2sf)  }
0x149: {  	s18 =	smin.u32 s25, s18;
	s25 =	spop (v2sf)  }
0x14a: {  	s7 =	smin.u32 s7, s22;
	s22 =	spop (v2sf)  }
0x14b: {  	s20 =	smin.u32 s25, s20;
	s3 =	smin.u32 s3, s22;
	s22 =	spop (v2sf)  }
0x14c: {  	s5 =	smin.u32 s22, s5;
	s22 =	spop (v2sf)  }
0x14d: {  	s3 =	smin.u32 s3, s5;
	s5 =	smin.u32 s20, s18;
	s18 =	spop (v2sf)  }
0x14e: {  	s16 =	smin.u32 s22, s16;
	s6 =	smin.u32 s6, s18  }
0x14f: {  	s5 =	smin.u32 s5, s7;
	s6 =	smin.u32 s6, s16  }
0x150: {  	s3 =	smin.u32 s6, s3  }
0x151: {  	s6 =	sadd.s32 s30, s13;
	s3 =	smin.u32 s3, s5  }
0x152: {  	p1 =	slt.u32 s3, $0x10  }
0x153: {  	s5 =	sadd.s32 s3, s6;
	p2 =	sgt.u32 s3, $0xF;
	s3 =	simm.s32 $0x1  }
0x154: {  	s5 =	simm.s32 @!p1 $0x1F40;
	s3 =	simm.s32 @!p2 $0x0  }
0x155: {  	[smem:s31+$0x100] =	sst s5;
	s0 =	sadd.s32 s3, s0  }
0x156: {  	[smem:s1] =	sst s31;
	s1 =	smov.u32 s0  }
0x157: {  	s31 =	sld [smem:s14+$0x0];
	_ =	sdelay $0x2  }
0x158: {  	s3 =	sand.u32 $0x7, s31;
	s5 =	sshll.u32 s31, $0x4  }
0x159: {  	s5 =	sand.u32 $0xFFFFFF80, s5;
	s6 =	sshll.u32 s3, $0x7;
	s13 =	smul.u32 $0x3E8, s3  }
0x15a: {  	v5 =	vld.idx.msk [tilespmem:v1+s6+$0x0 ss:$0x1], $0xffff  }
0x15b: {  	v6 =	vld.idx.msk [tilespmem:v2+s6+$0x0 ss:$0x1], $0xffff  }
0x15c: {  	v7 =	vld [tilespmem:s5+$0x8000]  }
0x15d: {  	v8 =	vld.idx.msk [tilespmem:v3+s6+$0x0 ss:$0x1], $0xffff  }
0x15e: {  	v9 =	vld.idx.msk [tilespmem:v4+s6+$0x0 ss:$0x1], $0xffff;
	_ =	sdelay $0x2  }
0x15f: {  	v10 =	vbroadcast v7, $0x0;
	v11 =	vbroadcast v7, $0x1  }
0x160: {  	v12 =	vbroadcast v7, $0x2;
	v7 =	vbroadcast v7, $0x3  }
0x161: {  	v5 =	vmax.f32 v11, v5  }
0x162: {  	v8 =	vmin.f32 v12, v8;
	v9 =	vmax.f32 v10, v9;
	v6 =	vmin.f32 v7, v6  }
0x163: {  	vm0 =	vgt.f32 v8, v9;
	vm15 =	vgt.f32 v6, v5  }
0x164: {  	vm0 =	vmand vm0, vm15  }
0x165: {  	v5 =	vnsel vm0, $0x10, v0  }
0x166: {  	(v2sf) =	vpush v5, $0xF  }
0x167: {  	(v2sf) =	vpush v5, $0xB  }
0x168: {  	(v2sf) =	vpush v5, $0xD  }
0x169: {  	(v2sf) =	vpush v5, $0xE  }
0x16a: {  	(v2sf) =	vpush v5, $0x3  }
0x16b: {  	(v2sf) =	vpush v5, $0x4  }
0x16c: {  	(v2sf) =	vpush v5, $0x7  }
0x16d: {  	(v2sf) =	vpush v5, $0x0  }
0x16e: {  	(v2sf) =	vpush v5, $0xC  }
0x16f: {  	(v2sf) =	vpush v5, $0x9  }
0x170: {  	(v2sf) =	vpush v5, $0xA  }
0x171: {  	(v2sf) =	vpush v5, $0x8  }
0x172: {  	(v2sf) =	vpush v5, $0x5  }
0x173: {  	(v2sf) =	vpush v5, $0x6  }
0x174: {  	(v2sf) =	vpush v5, $0x2  }
.Ltmp14:
0x175: {  	(v2sf) =	vpush v5, $0x1;
	s3 =	spop (v2sf);
	(pc) =	sbr.rel @p0 .LBB2_13-.Ltmp14, $4  }
0x176: {  	s18 =	spop (v2sf)  }
0x177: {  	s20 =	spop (v2sf)  }
0x178: {  	s5 =	spop (v2sf)  }
0x179: {  	s22 =	smin.u32 s5, s3;
	s16 =	spop (v2sf)  }
.LBB2_14:
0x17a: {  	s3 =	spop (v2sf)  }
0x17b: {  	s5 =	spop (v2sf)  }
0x17c: {  	s6 =	spop (v2sf)  }
0x17d: {  	s7 =	spop (v2sf)  }
0x17e: {  	s12 =	spop (v2sf)  }
0x17f: {  	s14 =	spop (v2sf)  }
0x180: {  	s25 =	spop (v2sf)  }
0x181: {  	s26 =	spop (v2sf)  }
0x182: {  	s7 =	smin.u32 s7, s20;
	s20 =	spop (v2sf)  }
0x183: {  	s7 =	smin.u32 s7, s22;
	s14 =	smin.u32 s14, s18;
	s18 =	spop (v2sf)  }
0x184: {  	s12 =	smin.u32 s25, s12;
	s3 =	smin.u32 s3, s26;
	s25 =	spop (v2sf)  }
0x185: {  	s5 =	smin.u32 s20, s5;
	s16 =	smin.u32 s18, s16;
	s6 =	smin.u32 s6, s25  }
0x186: {  	s26 =	smin.u32 s12, s14;
	s3 =	smin.u32 s3, s5;
	s6 =	smin.u32 s6, s16  }
0x187: {  	s5 =	smin.u32 s26, s7;
	s3 =	smin.u32 s6, s3  }
.Ltmp15:
0x188: {  	s30 =	sadd.s32 s30, s13;
	s3 =	smin.u32 s3, s5;
	(pc) =	sbr.rel .LBB2_15-.Ltmp15, $4  }
0x189: {  	p0 =	slt.u32 s3, $0x10;
	s5 =	sadd.s32 s3, s30  }
0x18a: {  	p1 =	sgt.u32 s3, $0xF;
	s3 =	simm.s32 $0x1;
	s5 =	simm.s32 @!p0 $0x1F40  }
0x18b: {  	s3 =	simm.s32 @!p1 $0x0;
	[smem:s31+$0x100] =	sst s5  }
0x18c: {  	vm0 =	vcmask $0x300;
	s12 =	sadd.s32 s3, s0;
	[smem:s1] =	sst s31  }
.LBB2_19:
0x18d: {  	_ =	sfence.sel $0x180000  }
0x18e: {  	[bflag:$0x0] =	sbarrier.arrive $0xFFFF  }
0x18f: {  	_ =	strace $0x90000047  }
0x190: {  	s0 =	stileid.u32;
	[bflag:$0x2] =	sbarrier.arrive $0xFFFF  }
0x191: {  	p0 =	sne.s32 s0, $0x0;
	s0 =	rddreg [dreg:$0x1]  }
0x192: {  	s0 =	sadd.s32 @!p0 $0x100000, s0  }
0x193: {  	[sflag:s0] =	ssyncadd.tile.s32 @!p0 $0x1;
	_ =	shalt  }
.Lfunc_end2:
_tile_overlayer_lowered:
.L_overlay_start_2:
0x194: {  	(tag) =	ssettag $0x2  }
0x195: {  	s0 =	rddreg [dreg:$0x0];
	s2 =	stileid.u32  }
0x196: {  	s1 =	rddreg [dreg:$0x1];
	p0 =	sne.s32 s2, $0x0  }
0x197: {  	s3 =	rddreg [dreg:$0x2];
	[bflag:$0x3] =	sbarrier.arrive $0xFFFF;
	s2 =	simm.s32 @!p0 $0x1C02  }
0x198: {  	[timem:s3], [sflag:s2] =	dma.local @!p0 [hbm:s0], s1  }
0x199: {  	s0 =	simm.s32 @!p0 $0x2  }
0x19a: {  	_ =	swait.ge @!p0 [sflag:s0], s1  }
0x19b: {  	s1 =	ssub.s32 @!p0 $0x0, s1;
	[sflag:s0] =	ssyncset.done @!p0 $0x0  }
0x19c: {  	[sflag:s0] =	ssyncadd.s32 @!p0 s1  }
0x19d: {  	[bflag:$0x3] =	sbarrier.arrive $0xFFFF  }
0x19e: {  	_ =	shalt  }

</sc_bundles>
